<compile_context>
chip_gen: v7x
topology: tpu7x:2x2x1
jax: 0.10.2.dev20260603
libtpu: 0.0.44.dev20260713+nightly
codegen_flags: <defaults>
</compile_context>

<pallas_src>
import jax
import jax.numpy as jnp
from jax import lax
from jax.experimental import pallas as pl
from jax.experimental.pallas import tpu as pltpu
from jax.experimental.pallas import tpu_sc as plsc

N = 10000
E = 320000
F = 128

NC = 2
NS = 16
NW = NC * NS
CHUNK = 128
Q = 80
QSTAGE = 80
NPHASE = Q // QSTAGE
TOTAL_CHUNKS = NW * Q
E_PAD = TOTAL_CHUNKS * CHUNK
N_PAD = 10240
ROWS_PER_TILE = N_PAD // NS
BLKS_PER_TILE = ROWS_PER_TILE // CHUNK
DUMMY_DST = N


def _sc_agg_body(pk_hbm, x_hbm, out_hbm,
                 pk_v, sidx_v, didx_v, rows_v, agg_sh, sem0, sem1):
    c = lax.axis_index("c")
    s = lax.axis_index("s")
    tid = s

    wid = c * NS + s

    def _zero_row(i, carry):
        for j in range(F // 16):
            rows_v[0, i, pl.ds(j * 16, 16)] = jnp.zeros((16,), jnp.float32)
        return carry

    lax.fori_loop(0, CHUNK, _zero_row, 0)

    def _zero_blk(b, carry):
        pltpu.sync_copy(rows_v.at[0], agg_sh.at[pl.ds(tid * ROWS_PER_TILE + b * CHUNK, CHUNK)])
        return carry

    lax.fori_loop(0, BLKS_PER_TILE, _zero_blk, 0)
    plsc.subcore_barrier()

    sems = (sem0, sem1)

    def _unpack(j, b):
        for k in range(CHUNK // 16):
            p = pk_v[j, pl.ds(k * 16, 16)]
            sidx_v[b, pl.ds(k * 16, 16)] = lax.shift_right_logical(p, 14)
            didx_v[b, pl.ds(k * 16, 16)] = lax.bitwise_and(p, 16383)

    for phase in range(NPHASE):
        pltpu.sync_copy(
            pk_hbm.at[pl.ds(wid * Q + phase * QSTAGE, QSTAGE)], pk_v)

        for b in range(2):
            _unpack(b, b)
            pltpu.async_copy(x_hbm.at[sidx_v.at[b]], rows_v.at[b], sems[b])

        def _edge_chunk(g, carry):
            for b in range(2):
                jj = g * 2 + b
                pltpu.make_async_copy(x_hbm.at[sidx_v.at[b]], rows_v.at[b], sems[b]).wait()
                pltpu.sync_copy(rows_v.at[b], agg_sh.at[didx_v.at[b]], add=True)
                nxt = jnp.minimum(jj + 2, QSTAGE - 1)
                _unpack(nxt, b)
                pltpu.async_copy(x_hbm.at[sidx_v.at[b]], rows_v.at[b], sems[b])
            return carry

        lax.fori_loop(0, QSTAGE // 2, _edge_chunk, 0)

        for b in range(2):
            pltpu.make_async_copy(x_hbm.at[sidx_v.at[b]], rows_v.at[b], sems[b]).wait()

    plsc.subcore_barrier()

    def _writeback(b, carry):
        base = tid * ROWS_PER_TILE + b * CHUNK
        pltpu.sync_copy(agg_sh.at[pl.ds(base, CHUNK)], rows_v.at[0])
        pltpu.sync_copy(rows_v.at[0], out_hbm.at[pl.ds(c * N_PAD + base, CHUNK)])
        return carry

    lax.fori_loop(0, BLKS_PER_TILE, _writeback, 0)


_sc_agg = pl.kernel(
    _sc_agg_body,
    out_type=jax.ShapeDtypeStruct((NC * N_PAD, F), jnp.float32),
    mesh=plsc.VectorSubcoreMesh(core_axis_name="c", subcore_axis_name="s"),
    scratch_types=[
        pltpu.VMEM((QSTAGE, CHUNK), jnp.int32),
        pltpu.VMEM((2, CHUNK), jnp.int32),
        pltpu.VMEM((2, CHUNK), jnp.int32),
        pltpu.VMEM((2, CHUNK, F), jnp.float32),
        pltpu.VMEM_SHARED((N_PAD, F), jnp.float32),
        pltpu.SemaphoreType.DMA,
        pltpu.SemaphoreType.DMA,
    ],
)


def _mlp_body(pa, x, eps, w1t, b1, g1, be1, w2t, b2, g2, be2, out):
    agg = pa[:N, :] + pa[N_PAD:N_PAD + N, :] + eps[...] * x[...]
    h = jnp.dot(agg, w1t[...], preferred_element_type=jnp.float32) + b1[...]
    mu = jnp.mean(h, axis=0, keepdims=True)
    var = jnp.mean((h - mu) ** 2, axis=0, keepdims=True)
    h = (h - mu) * lax.rsqrt(var + 1e-5) * g1[...] + be1[...]
    h = jnp.where(h > 0, h, jnp.exp(h) - 1.0)
    h = jnp.dot(h, w2t[...], preferred_element_type=jnp.float32) + b2[...]
    mu = jnp.mean(h, axis=0, keepdims=True)
    var = jnp.mean((h - mu) ** 2, axis=0, keepdims=True)
    h = (h - mu) * lax.rsqrt(var + 1e-5) * g2[...] + be2[...]
    out[...] = jnp.where(h > 0, h, jnp.exp(h) - 1.0)


_mlp = pl.pallas_call(
    _mlp_body,
    out_shape=jax.ShapeDtypeStruct((N, F), jnp.float32),
)


def kernel(x, edge_index, epsilon, W1, b1, g1, beta1, W2, b2, g2, beta2):
    dst = edge_index[0]
    src = edge_index[1]
    pad = E_PAD - E
    if pad >= 0:
        pad_dst = DUMMY_DST + (jnp.arange(pad, dtype=jnp.int32) % (N_PAD - N))
        src_p = jnp.concatenate([src, jnp.zeros((pad,), jnp.int32)])
        dst_p = jnp.concatenate([dst, pad_dst])
    else:
        src_p = src[:E_PAD]
        dst_p = dst[:E_PAD]
    packed = jnp.bitwise_or(jnp.left_shift(src_p, 14), dst_p).reshape(TOTAL_CHUNKS, CHUNK)
    parts_a = _sc_agg(packed, x)
    return _mlp(parts_a, x, epsilon,
                W1.T, b1.reshape(1, F), g1.reshape(1, F), beta1.reshape(1, F),
                W2.T, b2.reshape(1, F), g2.reshape(1, F), beta2.reshape(1, F))

# --- scband reference (transcript-rebuilt; emitter-appended) ---
"""Pipeline reference for scband-ftdgnn-10256381903670 (READ-ONLY COPY).

The authoritative reference and input builder live on the scoring server;
editing this copy changes nothing except your own understanding.
"""

import jax, jax.numpy as jnp
import numpy as np

N = 10000
E = 320000
F_IN = 128
F_HID = 128
F_OUT = 128


def setup_inputs(seed: int = 0) -> dict:
    key = jax.random.key(seed)
    ks = jax.random.split(key, 12)
    x = jax.random.normal(ks[0], (N, F_IN), dtype=jnp.float32)
    edge_index = jax.random.randint(ks[1], (2, E), 0, N, dtype=jnp.int32)
    # learned parameters of spGNN (epsilon + MLP: Linear->BN->ELU->Linear->BN->ELU)
    epsilon = jnp.zeros((1, 1), dtype=jnp.float32)
    W1 = jax.random.normal(ks[2], (F_HID, F_IN), dtype=jnp.float32) * 0.05
    b1 = jnp.zeros((F_HID,), dtype=jnp.float32)
    g1 = jnp.ones((F_HID,), dtype=jnp.float32)
    beta1 = jnp.zeros((F_HID,), dtype=jnp.float32)
    W2 = jax.random.normal(ks[3], (F_OUT, F_HID), dtype=jnp.float32) * 0.05
    b2 = jnp.zeros((F_OUT,), dtype=jnp.float32)
    g2 = jnp.ones((F_OUT,), dtype=jnp.float32)
    beta2 = jnp.zeros((F_OUT,), dtype=jnp.float32)
    return {"x": x, "edge_index": edge_index, "epsilon": epsilon,
            "W1": W1, "b1": b1, "g1": g1, "beta1": beta1,
            "W2": W2, "b2": b2, "g2": g2, "beta2": beta2}


def _bn_elu(h, g, beta):
    # BatchNorm1d in training mode: normalize with batch statistics (biased var)
    mu = jnp.mean(h, axis=0)
    var = jnp.var(h, axis=0)
    h = (h - mu) / jnp.sqrt(var + 1e-5) * g + beta
    return jax.nn.elu(h)


def reference(x, edge_index, epsilon, W1, b1, g1, beta1, W2, b2, g2, beta2):
    # v_aggregate = torch.sparse.mm(a, x): a is a 0/1 adjacency built from nonzeros,
    # row = edge_index[0] (dst), col = edge_index[1] (src) -> scatter-add of gathered rows
    agg = jnp.zeros_like(x).at[edge_index[0]].add(x[edge_index[1]])
    # v_aggregate += epsilon * x
    agg = agg + epsilon * x
    # mlp: Linear -> BN -> ELU -> Linear -> BN -> ELU
    h = agg @ W1.T + b1
    h = _bn_elu(h, g1, beta1)
    h = h @ W2.T + b2
    h = _bn_elu(h, g2, beta2)
    return h

if __name__ == "__main__":
    import jax
    _d = setup_inputs()
    print(jax.jit(kernel)(*tuple(_d.values())))

</pallas_src>

<mosaic_0001>
#map = affine_map<(d0, d1) -> (0, 0)>
module attributes {stable_mosaic.version = 14 : i64} {
  func.func @_sc_agg_body(%arg0: i32, %arg1: i32, %arg2: memref<2560x128xi32, #tpu.memory_space<hbm>>, %arg3: memref<10000x128xf32, #tpu.memory_space<hbm>>, %arg4: memref<20480x128xf32, #tpu.memory_space<hbm>>, %arg5: memref<80x128xi32, #tpu.memory_space<vmem>>, %arg6: memref<2x128xi32, #tpu.memory_space<vmem>>, %arg7: memref<2x128xi32, #tpu.memory_space<vmem>>, %arg8: memref<2x128x128xf32, #tpu.memory_space<vmem>>, %arg9: memref<10240x128xf32, #tpu.memory_space<vmem_shared>>, %arg10: memref<!tpu.dma_semaphore, #tpu.memory_space<semaphore_mem>>, %arg11: memref<!tpu.dma_semaphore, #tpu.memory_space<semaphore_mem>>) attributes {dimension_semantics = [#tpu.dimension_semantics<core_parallel>, #tpu.dimension_semantics<subcore_parallel>], iteration_bounds = array<i64: 2, 16>, scalar_prefetch = 0 : i64, scratch_operands = 7 : i64, tpu.core_type = #tpu.core_type<sc_vector_subcore>, window_params = [{transform_indices = #map}, {transform_indices = #map}, {transform_indices = #map}]} {
    %mul3A = arith.constant 16 : i32
    %mul3A_0 = arith.muli %arg0, %mul3A : i32
    %add3A = arith.addi %mul3A_0, %arg1 : i32
    %scan3A = arith.constant 0 : i32
    %scan3A_1 = arith.constant 0 : i32
    %scan3A_2 = arith.constant 128 : i32
    %scan3A_3 = arith.addi %scan3A_1, %scan3A_2 : i32
    %scan3A_4 = arith.constant 1 : i32
    scf.for %scan3A_439 = %scan3A_1 to %scan3A_3 step %scan3A_4  : i32 {
      %broadcast_in_dim3A = arith.constant 0.000000e+00 : f32
      %broadcast_in_dim3A_440 = vector.broadcast %broadcast_in_dim3A : f32 to vector<16xf32>
      %swap3A_441 = arith.constant 0 : i32
      %swap3A_442 = arith.index_cast %swap3A_441 : i32 to index
      %swap3A_443 = arith.index_cast %scan3A_439 : i32 to index
      %swap3A_444 = arith.constant 0 : index
      %swap3A_445 = tpu.vector_load %arg8[%swap3A_442, %swap3A_443, %swap3A_444] {strides = array<i32>} : memref<2x128x128xf32, #tpu.memory_space<vmem>>, vector<1x1x16xf32>,
      %swap3A_446 = vector.shape_cast %swap3A_445 : vector<1x1x16xf32> to vector<16xf32>
      %swap3A_447 = vector.shape_cast %broadcast_in_dim3A_440 : vector<16xf32> to vector<1x1x16xf32>
      tpu.vector_store %arg8[%swap3A_442, %swap3A_443, %swap3A_444], %swap3A_447 {strides = array<i32>} : memref<2x128x128xf32, #tpu.memory_space<vmem>>, vector<1x1x16xf32>,
      %broadcast_in_dim3A_448 = arith.constant 0.000000e+00 : f32
      %broadcast_in_dim3A_449 = vector.broadcast %broadcast_in_dim3A_448 : f32 to vector<16xf32>
      %swap3A_450 = arith.constant 0 : i32
      %swap3A_451 = arith.index_cast %swap3A_450 : i32 to index
      %swap3A_452 = arith.index_cast %scan3A_439 : i32 to index
      %swap3A_453 = arith.constant 16 : index
      %swap3A_454 = tpu.vector_load %arg8[%swap3A_451, %swap3A_452, %swap3A_453] {strides = array<i32>} : memref<2x128x128xf32, #tpu.memory_space<vmem>>, vector<1x1x16xf32>,
      %swap3A_455 = vector.shape_cast %swap3A_454 : vector<1x1x16xf32> to vector<16xf32>
      %swap3A_456 = vector.shape_cast %broadcast_in_dim3A_449 : vector<16xf32> to vector<1x1x16xf32>
      tpu.vector_store %arg8[%swap3A_451, %swap3A_452, %swap3A_453], %swap3A_456 {strides = array<i32>} : memref<2x128x128xf32, #tpu.memory_space<vmem>>, vector<1x1x16xf32>,
      %broadcast_in_dim3A_457 = arith.constant 0.000000e+00 : f32
      %broadcast_in_dim3A_458 = vector.broadcast %broadcast_in_dim3A_457 : f32 to vector<16xf32>
      %swap3A_459 = arith.constant 0 : i32
      %swap3A_460 = arith.index_cast %swap3A_459 : i32 to index
      %swap3A_461 = arith.index_cast %scan3A_439 : i32 to index
      %swap3A_462 = arith.constant 32 : index
      %swap3A_463 = tpu.vector_load %arg8[%swap3A_460, %swap3A_461, %swap3A_462] {strides = array<i32>} : memref<2x128x128xf32, #tpu.memory_space<vmem>>, vector<1x1x16xf32>,
      %swap3A_464 = vector.shape_cast %swap3A_463 : vector<1x1x16xf32> to vector<16xf32>
      %swap3A_465 = vector.shape_cast %broadcast_in_dim3A_458 : vector<16xf32> to vector<1x1x16xf32>
      tpu.vector_store %arg8[%swap3A_460, %swap3A_461, %swap3A_462], %swap3A_465 {strides = array<i32>} : memref<2x128x128xf32, #tpu.memory_space<vmem>>, vector<1x1x16xf32>,
      %broadcast_in_dim3A_466 = arith.constant 0.000000e+00 : f32
      %broadcast_in_dim3A_467 = vector.broadcast %broadcast_in_dim3A_466 : f32 to vector<16xf32>
      %swap3A_468 = arith.constant 0 : i32
      %swap3A_469 = arith.index_cast %swap3A_468 : i32 to index
      %swap3A_470 = arith.index_cast %scan3A_439 : i32 to index
      %swap3A_471 = arith.constant 48 : index
      %swap3A_472 = tpu.vector_load %arg8[%swap3A_469, %swap3A_470, %swap3A_471] {strides = array<i32>} : memref<2x128x128xf32, #tpu.memory_space<vmem>>, vector<1x1x16xf32>,
      %swap3A_473 = vector.shape_cast %swap3A_472 : vector<1x1x16xf32> to vector<16xf32>
      %swap3A_474 = vector.shape_cast %broadcast_in_dim3A_467 : vector<16xf32> to vector<1x1x16xf32>
      tpu.vector_store %arg8[%swap3A_469, %swap3A_470, %swap3A_471], %swap3A_474 {strides = array<i32>} : memref<2x128x128xf32, #tpu.memory_space<vmem>>, vector<1x1x16xf32>,
      %broadcast_in_dim3A_475 = arith.constant 0.000000e+00 : f32
      %broadcast_in_dim3A_476 = vector.broadcast %broadcast_in_dim3A_475 : f32 to vector<16xf32>
      %swap3A_477 = arith.constant 0 : i32
      %swap3A_478 = arith.index_cast %swap3A_477 : i32 to index
      %swap3A_479 = arith.index_cast %scan3A_439 : i32 to index
      %swap3A_480 = arith.constant 64 : index
      %swap3A_481 = tpu.vector_load %arg8[%swap3A_478, %swap3A_479, %swap3A_480] {strides = array<i32>} : memref<2x128x128xf32, #tpu.memory_space<vmem>>, vector<1x1x16xf32>,
      %swap3A_482 = vector.shape_cast %swap3A_481 : vector<1x1x16xf32> to vector<16xf32>
      %swap3A_483 = vector.shape_cast %broadcast_in_dim3A_476 : vector<16xf32> to vector<1x1x16xf32>
      tpu.vector_store %arg8[%swap3A_478, %swap3A_479, %swap3A_480], %swap3A_483 {strides = array<i32>} : memref<2x128x128xf32, #tpu.memory_space<vmem>>, vector<1x1x16xf32>,
      %broadcast_in_dim3A_484 = arith.constant 0.000000e+00 : f32
      %broadcast_in_dim3A_485 = vector.broadcast %broadcast_in_dim3A_484 : f32 to vector<16xf32>
      %swap3A_486 = arith.constant 0 : i32
      %swap3A_487 = arith.index_cast %swap3A_486 : i32 to index
      %swap3A_488 = arith.index_cast %scan3A_439 : i32 to index
      %swap3A_489 = arith.constant 80 : index
      %swap3A_490 = tpu.vector_load %arg8[%swap3A_487, %swap3A_488, %swap3A_489] {strides = array<i32>} : memref<2x128x128xf32, #tpu.memory_space<vmem>>, vector<1x1x16xf32>,
      %swap3A_491 = vector.shape_cast %swap3A_490 : vector<1x1x16xf32> to vector<16xf32>
      %swap3A_492 = vector.shape_cast %broadcast_in_dim3A_485 : vector<16xf32> to vector<1x1x16xf32>
      tpu.vector_store %arg8[%swap3A_487, %swap3A_488, %swap3A_489], %swap3A_492 {strides = array<i32>} : memref<2x128x128xf32, #tpu.memory_space<vmem>>, vector<1x1x16xf32>,
      %broadcast_in_dim3A_493 = arith.constant 0.000000e+00 : f32
      %broadcast_in_dim3A_494 = vector.broadcast %broadcast_in_dim3A_493 : f32 to vector<16xf32>
      %swap3A_495 = arith.constant 0 : i32
      %swap3A_496 = arith.index_cast %swap3A_495 : i32 to index
      %swap3A_497 = arith.index_cast %scan3A_439 : i32 to index
      %swap3A_498 = arith.constant 96 : index
      %swap3A_499 = tpu.vector_load %arg8[%swap3A_496, %swap3A_497, %swap3A_498] {strides = array<i32>} : memref<2x128x128xf32, #tpu.memory_space<vmem>>, vector<1x1x16xf32>,
      %swap3A_500 = vector.shape_cast %swap3A_499 : vector<1x1x16xf32> to vector<16xf32>
      %swap3A_501 = vector.shape_cast %broadcast_in_dim3A_494 : vector<16xf32> to vector<1x1x16xf32>
      tpu.vector_store %arg8[%swap3A_496, %swap3A_497, %swap3A_498], %swap3A_501 {strides = array<i32>} : memref<2x128x128xf32, #tpu.memory_space<vmem>>, vector<1x1x16xf32>,
      %broadcast_in_dim3A_502 = arith.constant 0.000000e+00 : f32
      %broadcast_in_dim3A_503 = vector.broadcast %broadcast_in_dim3A_502 : f32 to vector<16xf32>
      %swap3A_504 = arith.constant 0 : i32
      %swap3A_505 = arith.index_cast %swap3A_504 : i32 to index
      %swap3A_506 = arith.index_cast %scan3A_439 : i32 to index
      %swap3A_507 = arith.constant 112 : index
      %swap3A_508 = tpu.vector_load %arg8[%swap3A_505, %swap3A_506, %swap3A_507] {strides = array<i32>} : memref<2x128x128xf32, #tpu.memory_space<vmem>>, vector<1x1x16xf32>,
      %swap3A_509 = vector.shape_cast %swap3A_508 : vector<1x1x16xf32> to vector<16xf32>
      %swap3A_510 = vector.shape_cast %broadcast_in_dim3A_503 : vector<16xf32> to vector<1x1x16xf32>
      tpu.vector_store %arg8[%swap3A_505, %swap3A_506, %swap3A_507], %swap3A_510 {strides = array<i32>} : memref<2x128x128xf32, #tpu.memory_space<vmem>>, vector<1x1x16xf32>,
    }
    %scan3A_5 = arith.constant 128 : i32
    %scan3A_6 = arith.constant 0 : i32
    %scan3A_7 = arith.constant 0 : i32
    %scan3A_8 = arith.constant 5 : i32
    %scan3A_9 = arith.addi %scan3A_7, %scan3A_8 : i32
    %scan3A_10 = arith.constant 1 : i32
    scf.for %scan3A_439 = %scan3A_7 to %scan3A_9 step %scan3A_10  : i32 {
      %mul3A_440 = arith.constant 640 : i32
      %mul3A_441 = arith.muli %arg1, %mul3A_440 : i32
      %mul3A_442 = arith.constant 128 : i32
      %mul3A_443 = arith.muli %scan3A_439, %mul3A_442 : i32
      %add3A_444 = arith.addi %mul3A_441, %mul3A_443 : i32
      %run_scoped3A = arith.constant 0 : i32
      "tpu.region"() ({
        %run_scoped3A_445 = tpu.sem_alloc : memref<!tpu.dma_semaphore, #tpu.memory_space<semaphore_mem>>
        %dma_start3A_446 = arith.constant 0 : i32
        %dma_start3A_447 = arith.constant 0 : i32
        %dma_start3A_448 = tpu.memref_slice %arg8[%run_scoped3A, %dma_start3A_446, %dma_start3A_447] : memref<2x128x128xf32, #tpu.memory_space<vmem>> -> memref<1x128x128xf32, #tpu.memory_space<vmem>>
        %dma_start3A_449 = tpu.memref_squeeze %dma_start3A_448 : memref<1x128x128xf32, #tpu.memory_space<vmem>> -> memref<128x128xf32, #tpu.memory_space<vmem>>
        %dma_start3A_450 = arith.constant 0 : i32
        %dma_start3A_451 = tpu.memref_slice %arg9[%add3A_444, %dma_start3A_450] : memref<10240x128xf32, #tpu.memory_space<vmem_shared>> -> memref<128x128xf32, #tpu.memory_space<vmem_shared>>
        %dma_start3A_452 = arith.constant 0 : i32
        %dma_start3A_453 = tpu.memref_slice %arg9[%add3A_444, %dma_start3A_452] : memref<10240x128xf32, #tpu.memory_space<vmem_shared>> -> memref<128x128xf32, #tpu.memory_space<vmem_shared>>
        %dma_start3A_454 = arith.constant 0 : i32
        %dma_start3A_455 = arith.constant 0 : i32
        %dma_start3A_456 = tpu.memref_slice %arg8[%run_scoped3A, %dma_start3A_454, %dma_start3A_455] : memref<2x128x128xf32, #tpu.memory_space<vmem>> -> memref<1x128x128xf32, #tpu.memory_space<vmem>>
        %dma_start3A_457 = tpu.memref_squeeze %dma_start3A_456 : memref<1x128x128xf32, #tpu.memory_space<vmem>> -> memref<128x128xf32, #tpu.memory_space<vmem>>
        tpu.enqueue_dma source(%dma_start3A_457 : memref<128x128xf32, #tpu.memory_space<vmem>>) target(%dma_start3A_453 : memref<128x128xf32, #tpu.memory_space<vmem_shared>>) target_semaphore(%run_scoped3A_445 : memref<!tpu.dma_semaphore, #tpu.memory_space<semaphore_mem>>)
        %dma_wait3A_458 = arith.constant 0 : i32
        %dma_wait3A_459 = arith.constant 0 : i32
        %dma_wait3A_460 = tpu.memref_slice %arg8[%run_scoped3A, %dma_wait3A_458, %dma_wait3A_459] : memref<2x128x128xf32, #tpu.memory_space<vmem>> -> memref<1x128x128xf32, #tpu.memory_space<vmem>>
        %dma_wait3A_461 = tpu.memref_squeeze %dma_wait3A_460 : memref<1x128x128xf32, #tpu.memory_space<vmem>> -> memref<128x128xf32, #tpu.memory_space<vmem>>
        %dma_wait3A_462 = arith.constant 0 : i32
        %dma_wait3A_463 = tpu.memref_slice %arg9[%add3A_444, %dma_wait3A_462] : memref<10240x128xf32, #tpu.memory_space<vmem_shared>> -> memref<128x128xf32, #tpu.memory_space<vmem_shared>>
        %dma_wait3A_464 = arith.constant 0 : i32
        %dma_wait3A_465 = tpu.memref_slice %arg9[%add3A_444, %dma_wait3A_464] : memref<10240x128xf32, #tpu.memory_space<vmem_shared>> -> memref<128x128xf32, #tpu.memory_space<vmem_shared>>
        %dma_wait3A_466 = arith.constant 0 : i32
        %dma_wait3A_467 = arith.constant 0 : i32
        %dma_wait3A_468 = tpu.memref_slice %arg8[%run_scoped3A, %dma_wait3A_466, %dma_wait3A_467] : memref<2x128x128xf32, #tpu.memory_space<vmem>> -> memref<1x128x128xf32, #tpu.memory_space<vmem>>
        %dma_wait3A_469 = tpu.memref_squeeze %dma_wait3A_468 : memref<1x128x128xf32, #tpu.memory_space<vmem>> -> memref<128x128xf32, #tpu.memory_space<vmem>>
        tpu.wait_dma2 semaphore(%run_scoped3A_445 : memref<!tpu.dma_semaphore, #tpu.memory_space<semaphore_mem>>) src(%dma_wait3A_469 : memref<128x128xf32, #tpu.memory_space<vmem>>) dst(%dma_wait3A_465 : memref<128x128xf32, #tpu.memory_space<vmem_shared>>)
        tpu.yield
      }) : () -> ()
    }
    %scan3A_11 = arith.constant 5 : i32
    %barrier3A = arith.constant 0 : index
    tpu.barrier barrier_id(%barrier3A)
    %mul3A_12 = arith.constant 80 : i32
    %mul3A_13 = arith.muli %add3A, %mul3A_12 : i32
    %add3A_14 = arith.constant 0 : i32
    %add3A_15 = arith.addi %mul3A_13, %add3A_14 : i32
    "tpu.region"() ({
      %run_scoped3A = tpu.sem_alloc : memref<!tpu.dma_semaphore, #tpu.memory_space<semaphore_mem>>
      %dma_start3A_439 = arith.constant 0 : i32
      %dma_start3A_440 = tpu.memref_slice %arg2[%add3A_15, %dma_start3A_439] : memref<2560x128xi32, #tpu.memory_space<hbm>> -> memref<80x128xi32, #tpu.memory_space<hbm>>
      %dma_start3A_441 = arith.constant 0 : i32
      %dma_start3A_442 = tpu.memref_slice %arg2[%add3A_15, %dma_start3A_441] : memref<2560x128xi32, #tpu.memory_space<hbm>> -> memref<80x128xi32, #tpu.memory_space<hbm>>
      tpu.enqueue_dma source(%dma_start3A_442 : memref<80x128xi32, #tpu.memory_space<hbm>>) target(%arg5 : memref<80x128xi32, #tpu.memory_space<vmem>>) target_semaphore(%run_scoped3A : memref<!tpu.dma_semaphore, #tpu.memory_space<semaphore_mem>>)
      %dma_wait3A_443 = arith.constant 0 : i32
      %dma_wait3A_444 = tpu.memref_slice %arg2[%add3A_15, %dma_wait3A_443] : memref<2560x128xi32, #tpu.memory_space<hbm>> -> memref<80x128xi32, #tpu.memory_space<hbm>>
      %dma_wait3A_445 = arith.constant 0 : i32
      %dma_wait3A_446 = tpu.memref_slice %arg2[%add3A_15, %dma_wait3A_445] : memref<2560x128xi32, #tpu.memory_space<hbm>> -> memref<80x128xi32, #tpu.memory_space<hbm>>
      tpu.wait_dma2 semaphore(%run_scoped3A : memref<!tpu.dma_semaphore, #tpu.memory_space<semaphore_mem>>) src(%dma_wait3A_446 : memref<80x128xi32, #tpu.memory_space<hbm>>) dst(%arg5 : memref<80x128xi32, #tpu.memory_space<vmem>>)
      tpu.yield
    }) : () -> ()
    %get3A = arith.constant 0 : i32
    %get3A_16 = arith.index_cast %get3A : i32 to index
    %get3A_17 = arith.constant 0 : index
    %get3A_18 = tpu.vector_load %arg5[%get3A_16, %get3A_17] {strides = array<i32>} : memref<80x128xi32, #tpu.memory_space<vmem>>, vector<1x16xi32>,
    %get3A_19 = vector.shape_cast %get3A_18 : vector<1x16xi32> to vector<16xi32>
    %shift_right_logical3A = arith.constant 14 : i32
    %shift_right_logical3A_20 = vector.broadcast %shift_right_logical3A : i32 to vector<16xi32>
    %shift_right_logical3A_21 = arith.shrui %get3A_19, %shift_right_logical3A_20 : vector<16xi32>
    %swap3A = arith.constant 0 : i32
    %swap3A_22 = arith.index_cast %swap3A : i32 to index
    %swap3A_23 = arith.constant 0 : index
    %swap3A_24 = tpu.vector_load %arg6[%swap3A_22, %swap3A_23] {strides = array<i32>} : memref<2x128xi32, #tpu.memory_space<vmem>>, vector<1x16xi32>,
    %swap3A_25 = vector.shape_cast %swap3A_24 : vector<1x16xi32> to vector<16xi32>
    %swap3A_26 = vector.shape_cast %shift_right_logical3A_21 : vector<16xi32> to vector<1x16xi32>
    tpu.vector_store %arg6[%swap3A_22, %swap3A_23], %swap3A_26 {strides = array<i32>} : memref<2x128xi32, #tpu.memory_space<vmem>>, vector<1x16xi32>,
    %and3A = arith.constant 16383 : i32
    %and3A_27 = vector.broadcast %and3A : i32 to vector<16xi32>
    %and3A_28 = arith.andi %get3A_19, %and3A_27 : vector<16xi32>
    %swap3A_29 = arith.constant 0 : i32
    %swap3A_30 = arith.index_cast %swap3A_29 : i32 to index
    %swap3A_31 = arith.constant 0 : index
    %swap3A_32 = tpu.vector_load %arg7[%swap3A_30, %swap3A_31] {strides = array<i32>} : memref<2x128xi32, #tpu.memory_space<vmem>>, vector<1x16xi32>,
    %swap3A_33 = vector.shape_cast %swap3A_32 : vector<1x16xi32> to vector<16xi32>
    %swap3A_34 = vector.shape_cast %and3A_28 : vector<16xi32> to vector<1x16xi32>
    tpu.vector_store %arg7[%swap3A_30, %swap3A_31], %swap3A_34 {strides = array<i32>} : memref<2x128xi32, #tpu.memory_space<vmem>>, vector<1x16xi32>,
    %get3A_35 = arith.constant 0 : i32
    %get3A_36 = arith.index_cast %get3A_35 : i32 to index
    %get3A_37 = arith.constant 16 : index
    %get3A_38 = tpu.vector_load %arg5[%get3A_36, %get3A_37] {strides = array<i32>} : memref<80x128xi32, #tpu.memory_space<vmem>>, vector<1x16xi32>,
    %get3A_39 = vector.shape_cast %get3A_38 : vector<1x16xi32> to vector<16xi32>
    %shift_right_logical3A_40 = arith.constant 14 : i32
    %shift_right_logical3A_41 = vector.broadcast %shift_right_logical3A_40 : i32 to vector<16xi32>
    %shift_right_logical3A_42 = arith.shrui %get3A_39, %shift_right_logical3A_41 : vector<16xi32>
    %swap3A_43 = arith.constant 0 : i32
    %swap3A_44 = arith.index_cast %swap3A_43 : i32 to index
    %swap3A_45 = arith.constant 16 : index
    %swap3A_46 = tpu.vector_load %arg6[%swap3A_44, %swap3A_45] {strides = array<i32>} : memref<2x128xi32, #tpu.memory_space<vmem>>, vector<1x16xi32>,
    %swap3A_47 = vector.shape_cast %swap3A_46 : vector<1x16xi32> to vector<16xi32>
    %swap3A_48 = vector.shape_cast %shift_right_logical3A_42 : vector<16xi32> to vector<1x16xi32>
    tpu.vector_store %arg6[%swap3A_44, %swap3A_45], %swap3A_48 {strides = array<i32>} : memref<2x128xi32, #tpu.memory_space<vmem>>, vector<1x16xi32>,
    %and3A_49 = arith.constant 16383 : i32
    %and3A_50 = vector.broadcast %and3A_49 : i32 to vector<16xi32>
    %and3A_51 = arith.andi %get3A_39, %and3A_50 : vector<16xi32>
    %swap3A_52 = arith.constant 0 : i32
    %swap3A_53 = arith.index_cast %swap3A_52 : i32 to index
    %swap3A_54 = arith.constant 16 : index
    %swap3A_55 = tpu.vector_load %arg7[%swap3A_53, %swap3A_54] {strides = array<i32>} : memref<2x128xi32, #tpu.memory_space<vmem>>, vector<1x16xi32>,
    %swap3A_56 = vector.shape_cast %swap3A_55 : vector<1x16xi32> to vector<16xi32>
    %swap3A_57 = vector.shape_cast %and3A_51 : vector<16xi32> to vector<1x16xi32>
    tpu.vector_store %arg7[%swap3A_53, %swap3A_54], %swap3A_57 {strides = array<i32>} : memref<2x128xi32, #tpu.memory_space<vmem>>, vector<1x16xi32>,
    %get3A_58 = arith.constant 0 : i32
    %get3A_59 = arith.index_cast %get3A_58 : i32 to index
    %get3A_60 = arith.constant 32 : index
    %get3A_61 = tpu.vector_load %arg5[%get3A_59, %get3A_60] {strides = array<i32>} : memref<80x128xi32, #tpu.memory_space<vmem>>, vector<1x16xi32>,
    %get3A_62 = vector.shape_cast %get3A_61 : vector<1x16xi32> to vector<16xi32>
    %shift_right_logical3A_63 = arith.constant 14 : i32
    %shift_right_logical3A_64 = vector.broadcast %shift_right_logical3A_63 : i32 to vector<16xi32>
    %shift_right_logical3A_65 = arith.shrui %get3A_62, %shift_right_logical3A_64 : vector<16xi32>
    %swap3A_66 = arith.constant 0 : i32
    %swap3A_67 = arith.index_cast %swap3A_66 : i32 to index
    %swap3A_68 = arith.constant 32 : index
    %swap3A_69 = tpu.vector_load %arg6[%swap3A_67, %swap3A_68] {strides = array<i32>} : memref<2x128xi32, #tpu.memory_space<vmem>>, vector<1x16xi32>,
    %swap3A_70 = vector.shape_cast %swap3A_69 : vector<1x16xi32> to vector<16xi32>
    %swap3A_71 = vector.shape_cast %shift_right_logical3A_65 : vector<16xi32> to vector<1x16xi32>
    tpu.vector_store %arg6[%swap3A_67, %swap3A_68], %swap3A_71 {strides = array<i32>} : memref<2x128xi32, #tpu.memory_space<vmem>>, vector<1x16xi32>,
    %and3A_72 = arith.constant 16383 : i32
    %and3A_73 = vector.broadcast %and3A_72 : i32 to vector<16xi32>
    %and3A_74 = arith.andi %get3A_62, %and3A_73 : vector<16xi32>
    %swap3A_75 = arith.constant 0 : i32
    %swap3A_76 = arith.index_cast %swap3A_75 : i32 to index
    %swap3A_77 = arith.constant 32 : index
    %swap3A_78 = tpu.vector_load %arg7[%swap3A_76, %swap3A_77] {strides = array<i32>} : memref<2x128xi32, #tpu.memory_space<vmem>>, vector<1x16xi32>,
    %swap3A_79 = vector.shape_cast %swap3A_78 : vector<1x16xi32> to vector<16xi32>
    %swap3A_80 = vector.shape_cast %and3A_74 : vector<16xi32> to vector<1x16xi32>
    tpu.vector_store %arg7[%swap3A_76, %swap3A_77], %swap3A_80 {strides = array<i32>} : memref<2x128xi32, #tpu.memory_space<vmem>>, vector<1x16xi32>,
    %get3A_81 = arith.constant 0 : i32
    %get3A_82 = arith.index_cast %get3A_81 : i32 to index
    %get3A_83 = arith.constant 48 : index
    %get3A_84 = tpu.vector_load %arg5[%get3A_82, %get3A_83] {strides = array<i32>} : memref<80x128xi32, #tpu.memory_space<vmem>>, vector<1x16xi32>,
    %get3A_85 = vector.shape_cast %get3A_84 : vector<1x16xi32> to vector<16xi32>
    %shift_right_logical3A_86 = arith.constant 14 : i32
    %shift_right_logical3A_87 = vector.broadcast %shift_right_logical3A_86 : i32 to vector<16xi32>
    %shift_right_logical3A_88 = arith.shrui %get3A_85, %shift_right_logical3A_87 : vector<16xi32>
    %swap3A_89 = arith.constant 0 : i32
    %swap3A_90 = arith.index_cast %swap3A_89 : i32 to index
    %swap3A_91 = arith.constant 48 : index
    %swap3A_92 = tpu.vector_load %arg6[%swap3A_90, %swap3A_91] {strides = array<i32>} : memref<2x128xi32, #tpu.memory_space<vmem>>, vector<1x16xi32>,
    %swap3A_93 = vector.shape_cast %swap3A_92 : vector<1x16xi32> to vector<16xi32>
    %swap3A_94 = vector.shape_cast %shift_right_logical3A_88 : vector<16xi32> to vector<1x16xi32>
    tpu.vector_store %arg6[%swap3A_90, %swap3A_91], %swap3A_94 {strides = array<i32>} : memref<2x128xi32, #tpu.memory_space<vmem>>, vector<1x16xi32>,
    %and3A_95 = arith.constant 16383 : i32
    %and3A_96 = vector.broadcast %and3A_95 : i32 to vector<16xi32>
    %and3A_97 = arith.andi %get3A_85, %and3A_96 : vector<16xi32>
    %swap3A_98 = arith.constant 0 : i32
    %swap3A_99 = arith.index_cast %swap3A_98 : i32 to index
    %swap3A_100 = arith.constant 48 : index
    %swap3A_101 = tpu.vector_load %arg7[%swap3A_99, %swap3A_100] {strides = array<i32>} : memref<2x128xi32, #tpu.memory_space<vmem>>, vector<1x16xi32>,
    %swap3A_102 = vector.shape_cast %swap3A_101 : vector<1x16xi32> to vector<16xi32>
    %swap3A_103 = vector.shape_cast %and3A_97 : vector<16xi32> to vector<1x16xi32>
    tpu.vector_store %arg7[%swap3A_99, %swap3A_100], %swap3A_103 {strides = array<i32>} : memref<2x128xi32, #tpu.memory_space<vmem>>, vector<1x16xi32>,
    %get3A_104 = arith.constant 0 : i32
    %get3A_105 = arith.index_cast %get3A_104 : i32 to index
    %get3A_106 = arith.constant 64 : index
    %get3A_107 = tpu.vector_load %arg5[%get3A_105, %get3A_106] {strides = array<i32>} : memref<80x128xi32, #tpu.memory_space<vmem>>, vector<1x16xi32>,
    %get3A_108 = vector.shape_cast %get3A_107 : vector<1x16xi32> to vector<16xi32>
    %shift_right_logical3A_109 = arith.constant 14 : i32
    %shift_right_logical3A_110 = vector.broadcast %shift_right_logical3A_109 : i32 to vector<16xi32>
    %shift_right_logical3A_111 = arith.shrui %get3A_108, %shift_right_logical3A_110 : vector<16xi32>
    %swap3A_112 = arith.constant 0 : i32
    %swap3A_113 = arith.index_cast %swap3A_112 : i32 to index
    %swap3A_114 = arith.constant 64 : index
    %swap3A_115 = tpu.vector_load %arg6[%swap3A_113, %swap3A_114] {strides = array<i32>} : memref<2x128xi32, #tpu.memory_space<vmem>>, vector<1x16xi32>,
    %swap3A_116 = vector.shape_cast %swap3A_115 : vector<1x16xi32> to vector<16xi32>
    %swap3A_117 = vector.shape_cast %shift_right_logical3A_111 : vector<16xi32> to vector<1x16xi32>
    tpu.vector_store %arg6[%swap3A_113, %swap3A_114], %swap3A_117 {strides = array<i32>} : memref<2x128xi32, #tpu.memory_space<vmem>>, vector<1x16xi32>,
    %and3A_118 = arith.constant 16383 : i32
    %and3A_119 = vector.broadcast %and3A_118 : i32 to vector<16xi32>
    %and3A_120 = arith.andi %get3A_108, %and3A_119 : vector<16xi32>
    %swap3A_121 = arith.constant 0 : i32
    %swap3A_122 = arith.index_cast %swap3A_121 : i32 to index
    %swap3A_123 = arith.constant 64 : index
    %swap3A_124 = tpu.vector_load %arg7[%swap3A_122, %swap3A_123] {strides = array<i32>} : memref<2x128xi32, #tpu.memory_space<vmem>>, vector<1x16xi32>,
    %swap3A_125 = vector.shape_cast %swap3A_124 : vector<1x16xi32> to vector<16xi32>
    %swap3A_126 = vector.shape_cast %and3A_120 : vector<16xi32> to vector<1x16xi32>
    tpu.vector_store %arg7[%swap3A_122, %swap3A_123], %swap3A_126 {strides = array<i32>} : memref<2x128xi32, #tpu.memory_space<vmem>>, vector<1x16xi32>,
    %get3A_127 = arith.constant 0 : i32
    %get3A_128 = arith.index_cast %get3A_127 : i32 to index
    %get3A_129 = arith.constant 80 : index
    %get3A_130 = tpu.vector_load %arg5[%get3A_128, %get3A_129] {strides = array<i32>} : memref<80x128xi32, #tpu.memory_space<vmem>>, vector<1x16xi32>,
    %get3A_131 = vector.shape_cast %get3A_130 : vector<1x16xi32> to vector<16xi32>
    %shift_right_logical3A_132 = arith.constant 14 : i32
    %shift_right_logical3A_133 = vector.broadcast %shift_right_logical3A_132 : i32 to vector<16xi32>
    %shift_right_logical3A_134 = arith.shrui %get3A_131, %shift_right_logical3A_133 : vector<16xi32>
    %swap3A_135 = arith.constant 0 : i32
    %swap3A_136 = arith.index_cast %swap3A_135 : i32 to index
    %swap3A_137 = arith.constant 80 : index
    %swap3A_138 = tpu.vector_load %arg6[%swap3A_136, %swap3A_137] {strides = array<i32>} : memref<2x128xi32, #tpu.memory_space<vmem>>, vector<1x16xi32>,
    %swap3A_139 = vector.shape_cast %swap3A_138 : vector<1x16xi32> to vector<16xi32>
    %swap3A_140 = vector.shape_cast %shift_right_logical3A_134 : vector<16xi32> to vector<1x16xi32>
    tpu.vector_store %arg6[%swap3A_136, %swap3A_137], %swap3A_140 {strides = array<i32>} : memref<2x128xi32, #tpu.memory_space<vmem>>, vector<1x16xi32>,
    %and3A_141 = arith.constant 16383 : i32
    %and3A_142 = vector.broadcast %and3A_141 : i32 to vector<16xi32>
    %and3A_143 = arith.andi %get3A_131, %and3A_142 : vector<16xi32>
    %swap3A_144 = arith.constant 0 : i32
    %swap3A_145 = arith.index_cast %swap3A_144 : i32 to index
    %swap3A_146 = arith.constant 80 : index
    %swap3A_147 = tpu.vector_load %arg7[%swap3A_145, %swap3A_146] {strides = array<i32>} : memref<2x128xi32, #tpu.memory_space<vmem>>, vector<1x16xi32>,
    %swap3A_148 = vector.shape_cast %swap3A_147 : vector<1x16xi32> to vector<16xi32>
    %swap3A_149 = vector.shape_cast %and3A_143 : vector<16xi32> to vector<1x16xi32>
    tpu.vector_store %arg7[%swap3A_145, %swap3A_146], %swap3A_149 {strides = array<i32>} : memref<2x128xi32, #tpu.memory_space<vmem>>, vector<1x16xi32>,
    %get3A_150 = arith.constant 0 : i32
    %get3A_151 = arith.index_cast %get3A_150 : i32 to index
    %get3A_152 = arith.constant 96 : index
    %get3A_153 = tpu.vector_load %arg5[%get3A_151, %get3A_152] {strides = array<i32>} : memref<80x128xi32, #tpu.memory_space<vmem>>, vector<1x16xi32>,
    %get3A_154 = vector.shape_cast %get3A_153 : vector<1x16xi32> to vector<16xi32>
    %shift_right_logical3A_155 = arith.constant 14 : i32
    %shift_right_logical3A_156 = vector.broadcast %shift_right_logical3A_155 : i32 to vector<16xi32>
    %shift_right_logical3A_157 = arith.shrui %get3A_154, %shift_right_logical3A_156 : vector<16xi32>
    %swap3A_158 = arith.constant 0 : i32
    %swap3A_159 = arith.index_cast %swap3A_158 : i32 to index
    %swap3A_160 = arith.constant 96 : index
    %swap3A_161 = tpu.vector_load %arg6[%swap3A_159, %swap3A_160] {strides = array<i32>} : memref<2x128xi32, #tpu.memory_space<vmem>>, vector<1x16xi32>,
    %swap3A_162 = vector.shape_cast %swap3A_161 : vector<1x16xi32> to vector<16xi32>
    %swap3A_163 = vector.shape_cast %shift_right_logical3A_157 : vector<16xi32> to vector<1x16xi32>
    tpu.vector_store %arg6[%swap3A_159, %swap3A_160], %swap3A_163 {strides = array<i32>} : memref<2x128xi32, #tpu.memory_space<vmem>>, vector<1x16xi32>,
    %and3A_164 = arith.constant 16383 : i32
    %and3A_165 = vector.broadcast %and3A_164 : i32 to vector<16xi32>
    %and3A_166 = arith.andi %get3A_154, %and3A_165 : vector<16xi32>
    %swap3A_167 = arith.constant 0 : i32
    %swap3A_168 = arith.index_cast %swap3A_167 : i32 to index
    %swap3A_169 = arith.constant 96 : index
    %swap3A_170 = tpu.vector_load %arg7[%swap3A_168, %swap3A_169] {strides = array<i32>} : memref<2x128xi32, #tpu.memory_space<vmem>>, vector<1x16xi32>,
    %swap3A_171 = vector.shape_cast %swap3A_170 : vector<1x16xi32> to vector<16xi32>
    %swap3A_172 = vector.shape_cast %and3A_166 : vector<16xi32> to vector<1x16xi32>
    tpu.vector_store %arg7[%swap3A_168, %swap3A_169], %swap3A_172 {strides = array<i32>} : memref<2x128xi32, #tpu.memory_space<vmem>>, vector<1x16xi32>,
    %get3A_173 = arith.constant 0 : i32
    %get3A_174 = arith.index_cast %get3A_173 : i32 to index
    %get3A_175 = arith.constant 112 : index
    %get3A_176 = tpu.vector_load %arg5[%get3A_174, %get3A_175] {strides = array<i32>} : memref<80x128xi32, #tpu.memory_space<vmem>>, vector<1x16xi32>,
    %get3A_177 = vector.shape_cast %get3A_176 : vector<1x16xi32> to vector<16xi32>
    %shift_right_logical3A_178 = arith.constant 14 : i32
    %shift_right_logical3A_179 = vector.broadcast %shift_right_logical3A_178 : i32 to vector<16xi32>
    %shift_right_logical3A_180 = arith.shrui %get3A_177, %shift_right_logical3A_179 : vector<16xi32>
    %swap3A_181 = arith.constant 0 : i32
    %swap3A_182 = arith.index_cast %swap3A_181 : i32 to index
    %swap3A_183 = arith.constant 112 : index
    %swap3A_184 = tpu.vector_load %arg6[%swap3A_182, %swap3A_183] {strides = array<i32>} : memref<2x128xi32, #tpu.memory_space<vmem>>, vector<1x16xi32>,
    %swap3A_185 = vector.shape_cast %swap3A_184 : vector<1x16xi32> to vector<16xi32>
    %swap3A_186 = vector.shape_cast %shift_right_logical3A_180 : vector<16xi32> to vector<1x16xi32>
    tpu.vector_store %arg6[%swap3A_182, %swap3A_183], %swap3A_186 {strides = array<i32>} : memref<2x128xi32, #tpu.memory_space<vmem>>, vector<1x16xi32>,
    %and3A_187 = arith.constant 16383 : i32
    %and3A_188 = vector.broadcast %and3A_187 : i32 to vector<16xi32>
    %and3A_189 = arith.andi %get3A_177, %and3A_188 : vector<16xi32>
    %swap3A_190 = arith.constant 0 : i32
    %swap3A_191 = arith.index_cast %swap3A_190 : i32 to index
    %swap3A_192 = arith.constant 112 : index
    %swap3A_193 = tpu.vector_load %arg7[%swap3A_191, %swap3A_192] {strides = array<i32>} : memref<2x128xi32, #tpu.memory_space<vmem>>, vector<1x16xi32>,
    %swap3A_194 = vector.shape_cast %swap3A_193 : vector<1x16xi32> to vector<16xi32>
    %swap3A_195 = vector.shape_cast %and3A_189 : vector<16xi32> to vector<1x16xi32>
    tpu.vector_store %arg7[%swap3A_191, %swap3A_192], %swap3A_195 {strides = array<i32>} : memref<2x128xi32, #tpu.memory_space<vmem>>, vector<1x16xi32>,
    %dma_start3A = arith.constant 0 : i32
    %dma_start3A_196 = arith.constant 0 : i32
    %dma_start3A_197 = arith.constant 0 : i32
    %dma_start3A_198 = arith.constant 0 : i32
    %dma_start3A_199 = tpu.memref_slice %arg8[%dma_start3A_196, %dma_start3A_197, %dma_start3A_198] : memref<2x128x128xf32, #tpu.memory_space<vmem>> -> memref<1x128x128xf32, #tpu.memory_space<vmem>>
    %dma_start3A_200 = tpu.memref_squeeze %dma_start3A_199 : memref<1x128x128xf32, #tpu.memory_space<vmem>> -> memref<128x128xf32, #tpu.memory_space<vmem>>
    %dma_start3A_201 = arith.constant 0 : i32
    %dma_start3A_202 = tpu.memref_slice %arg6[%dma_start3A, %dma_start3A_201] : memref<2x128xi32, #tpu.memory_space<vmem>> -> memref<1x128xi32, #tpu.memory_space<vmem>>
    %dma_start3A_203 = tpu.memref_squeeze %dma_start3A_202 : memref<1x128xi32, #tpu.memory_space<vmem>> -> memref<128xi32, #tpu.memory_space<vmem>>
    %dma_start3A_204 = arith.constant 0 : i32
    %dma_start3A_205 = arith.constant 0 : i32
    %dma_start3A_206 = tpu.memref_slice %arg3[%dma_start3A_204, %dma_start3A_205] : memref<10000x128xf32, #tpu.memory_space<hbm>> -> memref<10000x128xf32, #tpu.memory_space<hbm>>
    tpu.enqueue_indirect_dma source(%dma_start3A_206 : memref<10000x128xf32, #tpu.memory_space<hbm>>) target(%dma_start3A_200 : memref<128x128xf32, #tpu.memory_space<vmem>>) offsets(%dma_start3A_203 : memref<128xi32, #tpu.memory_space<vmem>>) semaphore(%arg10 : memref<!tpu.dma_semaphore, #tpu.memory_space<semaphore_mem>>)
    %get3A_207 = arith.constant 1 : i32
    %get3A_208 = arith.index_cast %get3A_207 : i32 to index
    %get3A_209 = arith.constant 0 : index
    %get3A_210 = tpu.vector_load %arg5[%get3A_208, %get3A_209] {strides = array<i32>} : memref<80x128xi32, #tpu.memory_space<vmem>>, vector<1x16xi32>,
    %get3A_211 = vector.shape_cast %get3A_210 : vector<1x16xi32> to vector<16xi32>
    %shift_right_logical3A_212 = arith.constant 14 : i32
    %shift_right_logical3A_213 = vector.broadcast %shift_right_logical3A_212 : i32 to vector<16xi32>
    %shift_right_logical3A_214 = arith.shrui %get3A_211, %shift_right_logical3A_213 : vector<16xi32>
    %swap3A_215 = arith.constant 1 : i32
    %swap3A_216 = arith.index_cast %swap3A_215 : i32 to index
    %swap3A_217 = arith.constant 0 : index
    %swap3A_218 = tpu.vector_load %arg6[%swap3A_216, %swap3A_217] {strides = array<i32>} : memref<2x128xi32, #tpu.memory_space<vmem>>, vector<1x16xi32>,
    %swap3A_219 = vector.shape_cast %swap3A_218 : vector<1x16xi32> to vector<16xi32>
    %swap3A_220 = vector.shape_cast %shift_right_logical3A_214 : vector<16xi32> to vector<1x16xi32>
    tpu.vector_store %arg6[%swap3A_216, %swap3A_217], %swap3A_220 {strides = array<i32>} : memref<2x128xi32, #tpu.memory_space<vmem>>, vector<1x16xi32>,
    %and3A_221 = arith.constant 16383 : i32
    %and3A_222 = vector.broadcast %and3A_221 : i32 to vector<16xi32>
    %and3A_223 = arith.andi %get3A_211, %and3A_222 : vector<16xi32>
    %swap3A_224 = arith.constant 1 : i32
    %swap3A_225 = arith.index_cast %swap3A_224 : i32 to index
    %swap3A_226 = arith.constant 0 : index
    %swap3A_227 = tpu.vector_load %arg7[%swap3A_225, %swap3A_226] {strides = array<i32>} : memref<2x128xi32, #tpu.memory_space<vmem>>, vector<1x16xi32>,
    %swap3A_228 = vector.shape_cast %swap3A_227 : vector<1x16xi32> to vector<16xi32>
    %swap3A_229 = vector.shape_cast %and3A_223 : vector<16xi32> to vector<1x16xi32>
    tpu.vector_store %arg7[%swap3A_225, %swap3A_226], %swap3A_229 {strides = array<i32>} : memref<2x128xi32, #tpu.memory_space<vmem>>, vector<1x16xi32>,
    %get3A_230 = arith.constant 1 : i32
    %get3A_231 = arith.index_cast %get3A_230 : i32 to index
    %get3A_232 = arith.constant 16 : index
    %get3A_233 = tpu.vector_load %arg5[%get3A_231, %get3A_232] {strides = array<i32>} : memref<80x128xi32, #tpu.memory_space<vmem>>, vector<1x16xi32>,
    %get3A_234 = vector.shape_cast %get3A_233 : vector<1x16xi32> to vector<16xi32>
    %shift_right_logical3A_235 = arith.constant 14 : i32
    %shift_right_logical3A_236 = vector.broadcast %shift_right_logical3A_235 : i32 to vector<16xi32>
    %shift_right_logical3A_237 = arith.shrui %get3A_234, %shift_right_logical3A_236 : vector<16xi32>
    %swap3A_238 = arith.constant 1 : i32
    %swap3A_239 = arith.index_cast %swap3A_238 : i32 to index
    %swap3A_240 = arith.constant 16 : index
    %swap3A_241 = tpu.vector_load %arg6[%swap3A_239, %swap3A_240] {strides = array<i32>} : memref<2x128xi32, #tpu.memory_space<vmem>>, vector<1x16xi32>,
    %swap3A_242 = vector.shape_cast %swap3A_241 : vector<1x16xi32> to vector<16xi32>
    %swap3A_243 = vector.shape_cast %shift_right_logical3A_237 : vector<16xi32> to vector<1x16xi32>
    tpu.vector_store %arg6[%swap3A_239, %swap3A_240], %swap3A_243 {strides = array<i32>} : memref<2x128xi32, #tpu.memory_space<vmem>>, vector<1x16xi32>,
    %and3A_244 = arith.constant 16383 : i32
    %and3A_245 = vector.broadcast %and3A_244 : i32 to vector<16xi32>
    %and3A_246 = arith.andi %get3A_234, %and3A_245 : vector<16xi32>
    %swap3A_247 = arith.constant 1 : i32
    %swap3A_248 = arith.index_cast %swap3A_247 : i32 to index
    %swap3A_249 = arith.constant 16 : index
    %swap3A_250 = tpu.vector_load %arg7[%swap3A_248, %swap3A_249] {strides = array<i32>} : memref<2x128xi32, #tpu.memory_space<vmem>>, vector<1x16xi32>,
    %swap3A_251 = vector.shape_cast %swap3A_250 : vector<1x16xi32> to vector<16xi32>
    %swap3A_252 = vector.shape_cast %and3A_246 : vector<16xi32> to vector<1x16xi32>
    tpu.vector_store %arg7[%swap3A_248, %swap3A_249], %swap3A_252 {strides = array<i32>} : memref<2x128xi32, #tpu.memory_space<vmem>>, vector<1x16xi32>,
    %get3A_253 = arith.constant 1 : i32
    %get3A_254 = arith.index_cast %get3A_253 : i32 to index
    %get3A_255 = arith.constant 32 : index
    %get3A_256 = tpu.vector_load %arg5[%get3A_254, %get3A_255] {strides = array<i32>} : memref<80x128xi32, #tpu.memory_space<vmem>>, vector<1x16xi32>,
    %get3A_257 = vector.shape_cast %get3A_256 : vector<1x16xi32> to vector<16xi32>
    %shift_right_logical3A_258 = arith.constant 14 : i32
    %shift_right_logical3A_259 = vector.broadcast %shift_right_logical3A_258 : i32 to vector<16xi32>
    %shift_right_logical3A_260 = arith.shrui %get3A_257, %shift_right_logical3A_259 : vector<16xi32>
    %swap3A_261 = arith.constant 1 : i32
    %swap3A_262 = arith.index_cast %swap3A_261 : i32 to index
    %swap3A_263 = arith.constant 32 : index
    %swap3A_264 = tpu.vector_load %arg6[%swap3A_262, %swap3A_263] {strides = array<i32>} : memref<2x128xi32, #tpu.memory_space<vmem>>, vector<1x16xi32>,
    %swap3A_265 = vector.shape_cast %swap3A_264 : vector<1x16xi32> to vector<16xi32>
    %swap3A_266 = vector.shape_cast %shift_right_logical3A_260 : vector<16xi32> to vector<1x16xi32>
    tpu.vector_store %arg6[%swap3A_262, %swap3A_263], %swap3A_266 {strides = array<i32>} : memref<2x128xi32, #tpu.memory_space<vmem>>, vector<1x16xi32>,
    %and3A_267 = arith.constant 16383 : i32
    %and3A_268 = vector.broadcast %and3A_267 : i32 to vector<16xi32>
    %and3A_269 = arith.andi %get3A_257, %and3A_268 : vector<16xi32>
    %swap3A_270 = arith.constant 1 : i32
    %swap3A_271 = arith.index_cast %swap3A_270 : i32 to index
    %swap3A_272 = arith.constant 32 : index
    %swap3A_273 = tpu.vector_load %arg7[%swap3A_271, %swap3A_272] {strides = array<i32>} : memref<2x128xi32, #tpu.memory_space<vmem>>, vector<1x16xi32>,
    %swap3A_274 = vector.shape_cast %swap3A_273 : vector<1x16xi32> to vector<16xi32>
    %swap3A_275 = vector.shape_cast %and3A_269 : vector<16xi32> to vector<1x16xi32>
    tpu.vector_store %arg7[%swap3A_271, %swap3A_272], %swap3A_275 {strides = array<i32>} : memref<2x128xi32, #tpu.memory_space<vmem>>, vector<1x16xi32>,
    %get3A_276 = arith.constant 1 : i32
    %get3A_277 = arith.index_cast %get3A_276 : i32 to index
    %get3A_278 = arith.constant 48 : index
    %get3A_279 = tpu.vector_load %arg5[%get3A_277, %get3A_278] {strides = array<i32>} : memref<80x128xi32, #tpu.memory_space<vmem>>, vector<1x16xi32>,
    %get3A_280 = vector.shape_cast %get3A_279 : vector<1x16xi32> to vector<16xi32>
    %shift_right_logical3A_281 = arith.constant 14 : i32
    %shift_right_logical3A_282 = vector.broadcast %shift_right_logical3A_281 : i32 to vector<16xi32>
    %shift_right_logical3A_283 = arith.shrui %get3A_280, %shift_right_logical3A_282 : vector<16xi32>
    %swap3A_284 = arith.constant 1 : i32
    %swap3A_285 = arith.index_cast %swap3A_284 : i32 to index
    %swap3A_286 = arith.constant 48 : index
    %swap3A_287 = tpu.vector_load %arg6[%swap3A_285, %swap3A_286] {strides = array<i32>} : memref<2x128xi32, #tpu.memory_space<vmem>>, vector<1x16xi32>,
    %swap3A_288 = vector.shape_cast %swap3A_287 : vector<1x16xi32> to vector<16xi32>
    %swap3A_289 = vector.shape_cast %shift_right_logical3A_283 : vector<16xi32> to vector<1x16xi32>
    tpu.vector_store %arg6[%swap3A_285, %swap3A_286], %swap3A_289 {strides = array<i32>} : memref<2x128xi32, #tpu.memory_space<vmem>>, vector<1x16xi32>,
    %and3A_290 = arith.constant 16383 : i32
    %and3A_291 = vector.broadcast %and3A_290 : i32 to vector<16xi32>
    %and3A_292 = arith.andi %get3A_280, %and3A_291 : vector<16xi32>
    %swap3A_293 = arith.constant 1 : i32
    %swap3A_294 = arith.index_cast %swap3A_293 : i32 to index
    %swap3A_295 = arith.constant 48 : index
    %swap3A_296 = tpu.vector_load %arg7[%swap3A_294, %swap3A_295] {strides = array<i32>} : memref<2x128xi32, #tpu.memory_space<vmem>>, vector<1x16xi32>,
    %swap3A_297 = vector.shape_cast %swap3A_296 : vector<1x16xi32> to vector<16xi32>
    %swap3A_298 = vector.shape_cast %and3A_292 : vector<16xi32> to vector<1x16xi32>
    tpu.vector_store %arg7[%swap3A_294, %swap3A_295], %swap3A_298 {strides = array<i32>} : memref<2x128xi32, #tpu.memory_space<vmem>>, vector<1x16xi32>,
    %get3A_299 = arith.constant 1 : i32
    %get3A_300 = arith.index_cast %get3A_299 : i32 to index
    %get3A_301 = arith.constant 64 : index
    %get3A_302 = tpu.vector_load %arg5[%get3A_300, %get3A_301] {strides = array<i32>} : memref<80x128xi32, #tpu.memory_space<vmem>>, vector<1x16xi32>,
    %get3A_303 = vector.shape_cast %get3A_302 : vector<1x16xi32> to vector<16xi32>
    %shift_right_logical3A_304 = arith.constant 14 : i32
    %shift_right_logical3A_305 = vector.broadcast %shift_right_logical3A_304 : i32 to vector<16xi32>
    %shift_right_logical3A_306 = arith.shrui %get3A_303, %shift_right_logical3A_305 : vector<16xi32>
    %swap3A_307 = arith.constant 1 : i32
    %swap3A_308 = arith.index_cast %swap3A_307 : i32 to index
    %swap3A_309 = arith.constant 64 : index
    %swap3A_310 = tpu.vector_load %arg6[%swap3A_308, %swap3A_309] {strides = array<i32>} : memref<2x128xi32, #tpu.memory_space<vmem>>, vector<1x16xi32>,
    %swap3A_311 = vector.shape_cast %swap3A_310 : vector<1x16xi32> to vector<16xi32>
    %swap3A_312 = vector.shape_cast %shift_right_logical3A_306 : vector<16xi32> to vector<1x16xi32>
    tpu.vector_store %arg6[%swap3A_308, %swap3A_309], %swap3A_312 {strides = array<i32>} : memref<2x128xi32, #tpu.memory_space<vmem>>, vector<1x16xi32>,
    %and3A_313 = arith.constant 16383 : i32
    %and3A_314 = vector.broadcast %and3A_313 : i32 to vector<16xi32>
    %and3A_315 = arith.andi %get3A_303, %and3A_314 : vector<16xi32>
    %swap3A_316 = arith.constant 1 : i32
    %swap3A_317 = arith.index_cast %swap3A_316 : i32 to index
    %swap3A_318 = arith.constant 64 : index
    %swap3A_319 = tpu.vector_load %arg7[%swap3A_317, %swap3A_318] {strides = array<i32>} : memref<2x128xi32, #tpu.memory_space<vmem>>, vector<1x16xi32>,
    %swap3A_320 = vector.shape_cast %swap3A_319 : vector<1x16xi32> to vector<16xi32>
    %swap3A_321 = vector.shape_cast %and3A_315 : vector<16xi32> to vector<1x16xi32>
    tpu.vector_store %arg7[%swap3A_317, %swap3A_318], %swap3A_321 {strides = array<i32>} : memref<2x128xi32, #tpu.memory_space<vmem>>, vector<1x16xi32>,
    %get3A_322 = arith.constant 1 : i32
    %get3A_323 = arith.index_cast %get3A_322 : i32 to index
    %get3A_324 = arith.constant 80 : index
    %get3A_325 = tpu.vector_load %arg5[%get3A_323, %get3A_324] {strides = array<i32>} : memref<80x128xi32, #tpu.memory_space<vmem>>, vector<1x16xi32>,
    %get3A_326 = vector.shape_cast %get3A_325 : vector<1x16xi32> to vector<16xi32>
    %shift_right_logical3A_327 = arith.constant 14 : i32
    %shift_right_logical3A_328 = vector.broadcast %shift_right_logical3A_327 : i32 to vector<16xi32>
    %shift_right_logical3A_329 = arith.shrui %get3A_326, %shift_right_logical3A_328 : vector<16xi32>
    %swap3A_330 = arith.constant 1 : i32
    %swap3A_331 = arith.index_cast %swap3A_330 : i32 to index
    %swap3A_332 = arith.constant 80 : index
    %swap3A_333 = tpu.vector_load %arg6[%swap3A_331, %swap3A_332] {strides = array<i32>} : memref<2x128xi32, #tpu.memory_space<vmem>>, vector<1x16xi32>,
    %swap3A_334 = vector.shape_cast %swap3A_333 : vector<1x16xi32> to vector<16xi32>
    %swap3A_335 = vector.shape_cast %shift_right_logical3A_329 : vector<16xi32> to vector<1x16xi32>
    tpu.vector_store %arg6[%swap3A_331, %swap3A_332], %swap3A_335 {strides = array<i32>} : memref<2x128xi32, #tpu.memory_space<vmem>>, vector<1x16xi32>,
    %and3A_336 = arith.constant 16383 : i32
    %and3A_337 = vector.broadcast %and3A_336 : i32 to vector<16xi32>
    %and3A_338 = arith.andi %get3A_326, %and3A_337 : vector<16xi32>
    %swap3A_339 = arith.constant 1 : i32
    %swap3A_340 = arith.index_cast %swap3A_339 : i32 to index
    %swap3A_341 = arith.constant 80 : index
    %swap3A_342 = tpu.vector_load %arg7[%swap3A_340, %swap3A_341] {strides = array<i32>} : memref<2x128xi32, #tpu.memory_space<vmem>>, vector<1x16xi32>,
    %swap3A_343 = vector.shape_cast %swap3A_342 : vector<1x16xi32> to vector<16xi32>
    %swap3A_344 = vector.shape_cast %and3A_338 : vector<16xi32> to vector<1x16xi32>
    tpu.vector_store %arg7[%swap3A_340, %swap3A_341], %swap3A_344 {strides = array<i32>} : memref<2x128xi32, #tpu.memory_space<vmem>>, vector<1x16xi32>,
    %get3A_345 = arith.constant 1 : i32
    %get3A_346 = arith.index_cast %get3A_345 : i32 to index
    %get3A_347 = arith.constant 96 : index
    %get3A_348 = tpu.vector_load %arg5[%get3A_346, %get3A_347] {strides = array<i32>} : memref<80x128xi32, #tpu.memory_space<vmem>>, vector<1x16xi32>,
    %get3A_349 = vector.shape_cast %get3A_348 : vector<1x16xi32> to vector<16xi32>
    %shift_right_logical3A_350 = arith.constant 14 : i32
    %shift_right_logical3A_351 = vector.broadcast %shift_right_logical3A_350 : i32 to vector<16xi32>
    %shift_right_logical3A_352 = arith.shrui %get3A_349, %shift_right_logical3A_351 : vector<16xi32>
    %swap3A_353 = arith.constant 1 : i32
    %swap3A_354 = arith.index_cast %swap3A_353 : i32 to index
    %swap3A_355 = arith.constant 96 : index
    %swap3A_356 = tpu.vector_load %arg6[%swap3A_354, %swap3A_355] {strides = array<i32>} : memref<2x128xi32, #tpu.memory_space<vmem>>, vector<1x16xi32>,
    %swap3A_357 = vector.shape_cast %swap3A_356 : vector<1x16xi32> to vector<16xi32>
    %swap3A_358 = vector.shape_cast %shift_right_logical3A_352 : vector<16xi32> to vector<1x16xi32>
    tpu.vector_store %arg6[%swap3A_354, %swap3A_355], %swap3A_358 {strides = array<i32>} : memref<2x128xi32, #tpu.memory_space<vmem>>, vector<1x16xi32>,
    %and3A_359 = arith.constant 16383 : i32
    %and3A_360 = vector.broadcast %and3A_359 : i32 to vector<16xi32>
    %and3A_361 = arith.andi %get3A_349, %and3A_360 : vector<16xi32>
    %swap3A_362 = arith.constant 1 : i32
    %swap3A_363 = arith.index_cast %swap3A_362 : i32 to index
    %swap3A_364 = arith.constant 96 : index
    %swap3A_365 = tpu.vector_load %arg7[%swap3A_363, %swap3A_364] {strides = array<i32>} : memref<2x128xi32, #tpu.memory_space<vmem>>, vector<1x16xi32>,
    %swap3A_366 = vector.shape_cast %swap3A_365 : vector<1x16xi32> to vector<16xi32>
    %swap3A_367 = vector.shape_cast %and3A_361 : vector<16xi32> to vector<1x16xi32>
    tpu.vector_store %arg7[%swap3A_363, %swap3A_364], %swap3A_367 {strides = array<i32>} : memref<2x128xi32, #tpu.memory_space<vmem>>, vector<1x16xi32>,
    %get3A_368 = arith.constant 1 : i32
    %get3A_369 = arith.index_cast %get3A_368 : i32 to index
    %get3A_370 = arith.constant 112 : index
    %get3A_371 = tpu.vector_load %arg5[%get3A_369, %get3A_370] {strides = array<i32>} : memref<80x128xi32, #tpu.memory_space<vmem>>, vector<1x16xi32>,
    %get3A_372 = vector.shape_cast %get3A_371 : vector<1x16xi32> to vector<16xi32>
    %shift_right_logical3A_373 = arith.constant 14 : i32
    %shift_right_logical3A_374 = vector.broadcast %shift_right_logical3A_373 : i32 to vector<16xi32>
    %shift_right_logical3A_375 = arith.shrui %get3A_372, %shift_right_logical3A_374 : vector<16xi32>
    %swap3A_376 = arith.constant 1 : i32
    %swap3A_377 = arith.index_cast %swap3A_376 : i32 to index
    %swap3A_378 = arith.constant 112 : index
    %swap3A_379 = tpu.vector_load %arg6[%swap3A_377, %swap3A_378] {strides = array<i32>} : memref<2x128xi32, #tpu.memory_space<vmem>>, vector<1x16xi32>,
    %swap3A_380 = vector.shape_cast %swap3A_379 : vector<1x16xi32> to vector<16xi32>
    %swap3A_381 = vector.shape_cast %shift_right_logical3A_375 : vector<16xi32> to vector<1x16xi32>
    tpu.vector_store %arg6[%swap3A_377, %swap3A_378], %swap3A_381 {strides = array<i32>} : memref<2x128xi32, #tpu.memory_space<vmem>>, vector<1x16xi32>,
    %and3A_382 = arith.constant 16383 : i32
    %and3A_383 = vector.broadcast %and3A_382 : i32 to vector<16xi32>
    %and3A_384 = arith.andi %get3A_372, %and3A_383 : vector<16xi32>
    %swap3A_385 = arith.constant 1 : i32
    %swap3A_386 = arith.index_cast %swap3A_385 : i32 to index
    %swap3A_387 = arith.constant 112 : index
    %swap3A_388 = tpu.vector_load %arg7[%swap3A_386, %swap3A_387] {strides = array<i32>} : memref<2x128xi32, #tpu.memory_space<vmem>>, vector<1x16xi32>,
    %swap3A_389 = vector.shape_cast %swap3A_388 : vector<1x16xi32> to vector<16xi32>
    %swap3A_390 = vector.shape_cast %and3A_384 : vector<16xi32> to vector<1x16xi32>
    tpu.vector_store %arg7[%swap3A_386, %swap3A_387], %swap3A_390 {strides = array<i32>} : memref<2x128xi32, #tpu.memory_space<vmem>>, vector<1x16xi32>,
    %dma_start3A_391 = arith.constant 1 : i32
    %dma_start3A_392 = arith.constant 1 : i32
    %dma_start3A_393 = arith.constant 0 : i32
    %dma_start3A_394 = arith.constant 0 : i32
    %dma_start3A_395 = tpu.memref_slice %arg8[%dma_start3A_392, %dma_start3A_393, %dma_start3A_394] : memref<2x128x128xf32, #tpu.memory_space<vmem>> -> memref<1x128x128xf32, #tpu.memory_space<vmem>>
    %dma_start3A_396 = tpu.memref_squeeze %dma_start3A_395 : memref<1x128x128xf32, #tpu.memory_space<vmem>> -> memref<128x128xf32, #tpu.memory_space<vmem>>
    %dma_start3A_397 = arith.constant 0 : i32
    %dma_start3A_398 = tpu.memref_slice %arg6[%dma_start3A_391, %dma_start3A_397] : memref<2x128xi32, #tpu.memory_space<vmem>> -> memref<1x128xi32, #tpu.memory_space<vmem>>
    %dma_start3A_399 = tpu.memref_squeeze %dma_start3A_398 : memref<1x128xi32, #tpu.memory_space<vmem>> -> memref<128xi32, #tpu.memory_space<vmem>>
    %dma_start3A_400 = arith.constant 0 : i32
    %dma_start3A_401 = arith.constant 0 : i32
    %dma_start3A_402 = tpu.memref_slice %arg3[%dma_start3A_400, %dma_start3A_401] : memref<10000x128xf32, #tpu.memory_space<hbm>> -> memref<10000x128xf32, #tpu.memory_space<hbm>>
    tpu.enqueue_indirect_dma source(%dma_start3A_402 : memref<10000x128xf32, #tpu.memory_space<hbm>>) target(%dma_start3A_396 : memref<128x128xf32, #tpu.memory_space<vmem>>) offsets(%dma_start3A_399 : memref<128xi32, #tpu.memory_space<vmem>>) semaphore(%arg11 : memref<!tpu.dma_semaphore, #tpu.memory_space<semaphore_mem>>)
    %scan3A_403 = arith.constant 0 : i32
    %scan3A_404 = arith.constant 0 : i32
    %scan3A_405 = arith.constant 40 : i32
    %scan3A_406 = arith.addi %scan3A_404, %scan3A_405 : i32
    %scan3A_407 = arith.constant 1 : i32
    scf.for %scan3A_439 = %scan3A_404 to %scan3A_406 step %scan3A_407  : i32 {
      %mul3A_440 = arith.constant 2 : i32
      %mul3A_441 = arith.muli %scan3A_439, %mul3A_440 : i32
      %add3A_442 = arith.constant 0 : i32
      %add3A_443 = arith.addi %mul3A_441, %add3A_442 : i32
      %dma_wait3A_444 = arith.constant 0 : i32
      %dma_wait3A_445 = arith.constant 0 : i32
      %dma_wait3A_446 = arith.constant 0 : i32
      %dma_wait3A_447 = arith.constant 0 : i32
      %dma_wait3A_448 = tpu.memref_slice %arg8[%dma_wait3A_445, %dma_wait3A_446, %dma_wait3A_447] : memref<2x128x128xf32, #tpu.memory_space<vmem>> -> memref<1x128x128xf32, #tpu.memory_space<vmem>>
      %dma_wait3A_449 = tpu.memref_squeeze %dma_wait3A_448 : memref<1x128x128xf32, #tpu.memory_space<vmem>> -> memref<128x128xf32, #tpu.memory_space<vmem>>
      %dma_wait3A_450 = arith.constant 0 : i32
      %dma_wait3A_451 = tpu.memref_slice %arg6[%dma_wait3A_444, %dma_wait3A_450] : memref<2x128xi32, #tpu.memory_space<vmem>> -> memref<1x128xi32, #tpu.memory_space<vmem>>
      %dma_wait3A_452 = tpu.memref_squeeze %dma_wait3A_451 : memref<1x128xi32, #tpu.memory_space<vmem>> -> memref<128xi32, #tpu.memory_space<vmem>>
      %dma_wait3A_453 = arith.constant 0 : i32
      %dma_wait3A_454 = arith.constant 0 : i32
      %dma_wait3A_455 = tpu.memref_slice %arg3[%dma_wait3A_453, %dma_wait3A_454] : memref<10000x128xf32, #tpu.memory_space<hbm>> -> memref<10000x128xf32, #tpu.memory_space<hbm>>
      tpu.wait_indirect_dma semaphore(%arg10 : memref<!tpu.dma_semaphore, #tpu.memory_space<semaphore_mem>>) src(%dma_wait3A_455 : memref<10000x128xf32, #tpu.memory_space<hbm>>) dst(%dma_wait3A_449 : memref<128x128xf32, #tpu.memory_space<vmem>>)
      %run_scoped3A = arith.constant 0 : i32
      %run_scoped3A_456 = arith.constant 0 : i32
      "tpu.region"() ({
        %run_scoped3A_858 = tpu.sem_alloc : memref<!tpu.dma_semaphore, #tpu.memory_space<semaphore_mem>>
        %dma_start3A_859 = arith.constant 0 : i32
        %dma_start3A_860 = arith.constant 0 : i32
        %dma_start3A_861 = tpu.memref_slice %arg8[%run_scoped3A, %dma_start3A_859, %dma_start3A_860] : memref<2x128x128xf32, #tpu.memory_space<vmem>> -> memref<1x128x128xf32, #tpu.memory_space<vmem>>
        %dma_start3A_862 = tpu.memref_squeeze %dma_start3A_861 : memref<1x128x128xf32, #tpu.memory_space<vmem>> -> memref<128x128xf32, #tpu.memory_space<vmem>>
        %dma_start3A_863 = arith.constant 0 : i32
        %dma_start3A_864 = tpu.memref_slice %arg7[%run_scoped3A_456, %dma_start3A_863] : memref<2x128xi32, #tpu.memory_space<vmem>> -> memref<1x128xi32, #tpu.memory_space<vmem>>
        %dma_start3A_865 = tpu.memref_squeeze %dma_start3A_864 : memref<1x128xi32, #tpu.memory_space<vmem>> -> memref<128xi32, #tpu.memory_space<vmem>>
        %dma_start3A_866 = arith.constant 0 : i32
        %dma_start3A_867 = arith.constant 0 : i32
        %dma_start3A_868 = tpu.memref_slice %arg9[%dma_start3A_866, %dma_start3A_867] : memref<10240x128xf32, #tpu.memory_space<vmem_shared>> -> memref<10240x128xf32, #tpu.memory_space<vmem_shared>>
        tpu.enqueue_indirect_dma source(%dma_start3A_862 : memref<128x128xf32, #tpu.memory_space<vmem>>) target(%dma_start3A_868 : memref<10240x128xf32, #tpu.memory_space<vmem_shared>>) offsets(%dma_start3A_865 : memref<128xi32, #tpu.memory_space<vmem>>) semaphore(%run_scoped3A_858 : memref<!tpu.dma_semaphore, #tpu.memory_space<semaphore_mem>>) {add = true}
        %dma_wait3A_869 = arith.constant 0 : i32
        %dma_wait3A_870 = arith.constant 0 : i32
        %dma_wait3A_871 = tpu.memref_slice %arg8[%run_scoped3A, %dma_wait3A_869, %dma_wait3A_870] : memref<2x128x128xf32, #tpu.memory_space<vmem>> -> memref<1x128x128xf32, #tpu.memory_space<vmem>>
        %dma_wait3A_872 = tpu.memref_squeeze %dma_wait3A_871 : memref<1x128x128xf32, #tpu.memory_space<vmem>> -> memref<128x128xf32, #tpu.memory_space<vmem>>
        %dma_wait3A_873 = arith.constant 0 : i32
        %dma_wait3A_874 = tpu.memref_slice %arg7[%run_scoped3A_456, %dma_wait3A_873] : memref<2x128xi32, #tpu.memory_space<vmem>> -> memref<1x128xi32, #tpu.memory_space<vmem>>
        %dma_wait3A_875 = tpu.memref_squeeze %dma_wait3A_874 : memref<1x128xi32, #tpu.memory_space<vmem>> -> memref<128xi32, #tpu.memory_space<vmem>>
        %dma_wait3A_876 = arith.constant 0 : i32
        %dma_wait3A_877 = arith.constant 0 : i32
        %dma_wait3A_878 = tpu.memref_slice %arg9[%dma_wait3A_876, %dma_wait3A_877] : memref<10240x128xf32, #tpu.memory_space<vmem_shared>> -> memref<10240x128xf32, #tpu.memory_space<vmem_shared>>
        tpu.wait_indirect_dma semaphore(%run_scoped3A_858 : memref<!tpu.dma_semaphore, #tpu.memory_space<semaphore_mem>>) src(%dma_wait3A_872 : memref<128x128xf32, #tpu.memory_space<vmem>>) dst(%dma_wait3A_878 : memref<10240x128xf32, #tpu.memory_space<vmem_shared>>)
        tpu.yield
      }) : () -> ()
      %add3A_457 = arith.constant 2 : i32
      %add3A_458 = arith.addi %add3A_443, %add3A_457 : i32
      %min3A = arith.constant 79 : i32
      %min3A_459 = arith.minsi %add3A_458, %min3A : i32
      %get3A_460 = arith.index_cast %min3A_459 : i32 to index
      %get3A_461 = arith.constant 0 : index
      %get3A_462 = tpu.vector_load %arg5[%get3A_460, %get3A_461] {strides = array<i32>} : memref<80x128xi32, #tpu.memory_space<vmem>>, vector<1x16xi32>,
      %get3A_463 = vector.shape_cast %get3A_462 : vector<1x16xi32> to vector<16xi32>
      %shift_right_logical3A_464 = arith.constant 14 : i32
      %shift_right_logical3A_465 = vector.broadcast %shift_right_logical3A_464 : i32 to vector<16xi32>
      %shift_right_logical3A_466 = arith.shrui %get3A_463, %shift_right_logical3A_465 : vector<16xi32>
      %swap3A_467 = arith.constant 0 : i32
      %swap3A_468 = arith.index_cast %swap3A_467 : i32 to index
      %swap3A_469 = arith.constant 0 : index
      %swap3A_470 = tpu.vector_load %arg6[%swap3A_468, %swap3A_469] {strides = array<i32>} : memref<2x128xi32, #tpu.memory_space<vmem>>, vector<1x16xi32>,
      %swap3A_471 = vector.shape_cast %swap3A_470 : vector<1x16xi32> to vector<16xi32>
      %swap3A_472 = vector.shape_cast %shift_right_logical3A_466 : vector<16xi32> to vector<1x16xi32>
      tpu.vector_store %arg6[%swap3A_468, %swap3A_469], %swap3A_472 {strides = array<i32>} : memref<2x128xi32, #tpu.memory_space<vmem>>, vector<1x16xi32>,
      %and3A_473 = arith.constant 16383 : i32
      %and3A_474 = vector.broadcast %and3A_473 : i32 to vector<16xi32>
      %and3A_475 = arith.andi %get3A_463, %and3A_474 : vector<16xi32>
      %swap3A_476 = arith.constant 0 : i32
      %swap3A_477 = arith.index_cast %swap3A_476 : i32 to index
      %swap3A_478 = arith.constant 0 : index
      %swap3A_479 = tpu.vector_load %arg7[%swap3A_477, %swap3A_478] {strides = array<i32>} : memref<2x128xi32, #tpu.memory_space<vmem>>, vector<1x16xi32>,
      %swap3A_480 = vector.shape_cast %swap3A_479 : vector<1x16xi32> to vector<16xi32>
      %swap3A_481 = vector.shape_cast %and3A_475 : vector<16xi32> to vector<1x16xi32>
      tpu.vector_store %arg7[%swap3A_477, %swap3A_478], %swap3A_481 {strides = array<i32>} : memref<2x128xi32, #tpu.memory_space<vmem>>, vector<1x16xi32>,
      %get3A_482 = arith.index_cast %min3A_459 : i32 to index
      %get3A_483 = arith.constant 16 : index
      %get3A_484 = tpu.vector_load %arg5[%get3A_482, %get3A_483] {strides = array<i32>} : memref<80x128xi32, #tpu.memory_space<vmem>>, vector<1x16xi32>,
      %get3A_485 = vector.shape_cast %get3A_484 : vector<1x16xi32> to vector<16xi32>
      %shift_right_logical3A_486 = arith.constant 14 : i32
      %shift_right_logical3A_487 = vector.broadcast %shift_right_logical3A_486 : i32 to vector<16xi32>
      %shift_right_logical3A_488 = arith.shrui %get3A_485, %shift_right_logical3A_487 : vector<16xi32>
      %swap3A_489 = arith.constant 0 : i32
      %swap3A_490 = arith.index_cast %swap3A_489 : i32 to index
      %swap3A_491 = arith.constant 16 : index
      %swap3A_492 = tpu.vector_load %arg6[%swap3A_490, %swap3A_491] {strides = array<i32>} : memref<2x128xi32, #tpu.memory_space<vmem>>, vector<1x16xi32>,
      %swap3A_493 = vector.shape_cast %swap3A_492 : vector<1x16xi32> to vector<16xi32>
      %swap3A_494 = vector.shape_cast %shift_right_logical3A_488 : vector<16xi32> to vector<1x16xi32>
      tpu.vector_store %arg6[%swap3A_490, %swap3A_491], %swap3A_494 {strides = array<i32>} : memref<2x128xi32, #tpu.memory_space<vmem>>, vector<1x16xi32>,
      %and3A_495 = arith.constant 16383 : i32
      %and3A_496 = vector.broadcast %and3A_495 : i32 to vector<16xi32>
      %and3A_497 = arith.andi %get3A_485, %and3A_496 : vector<16xi32>
      %swap3A_498 = arith.constant 0 : i32
      %swap3A_499 = arith.index_cast %swap3A_498 : i32 to index
      %swap3A_500 = arith.constant 16 : index
      %swap3A_501 = tpu.vector_load %arg7[%swap3A_499, %swap3A_500] {strides = array<i32>} : memref<2x128xi32, #tpu.memory_space<vmem>>, vector<1x16xi32>,
      %swap3A_502 = vector.shape_cast %swap3A_501 : vector<1x16xi32> to vector<16xi32>
      %swap3A_503 = vector.shape_cast %and3A_497 : vector<16xi32> to vector<1x16xi32>
      tpu.vector_store %arg7[%swap3A_499, %swap3A_500], %swap3A_503 {strides = array<i32>} : memref<2x128xi32, #tpu.memory_space<vmem>>, vector<1x16xi32>,
      %get3A_504 = arith.index_cast %min3A_459 : i32 to index
      %get3A_505 = arith.constant 32 : index
      %get3A_506 = tpu.vector_load %arg5[%get3A_504, %get3A_505] {strides = array<i32>} : memref<80x128xi32, #tpu.memory_space<vmem>>, vector<1x16xi32>,
      %get3A_507 = vector.shape_cast %get3A_506 : vector<1x16xi32> to vector<16xi32>
      %shift_right_logical3A_508 = arith.constant 14 : i32
      %shift_right_logical3A_509 = vector.broadcast %shift_right_logical3A_508 : i32 to vector<16xi32>
      %shift_right_logical3A_510 = arith.shrui %get3A_507, %shift_right_logical3A_509 : vector<16xi32>
      %swap3A_511 = arith.constant 0 : i32
      %swap3A_512 = arith.index_cast %swap3A_511 : i32 to index
      %swap3A_513 = arith.constant 32 : index
      %swap3A_514 = tpu.vector_load %arg6[%swap3A_512, %swap3A_513] {strides = array<i32>} : memref<2x128xi32, #tpu.memory_space<vmem>>, vector<1x16xi32>,
      %swap3A_515 = vector.shape_cast %swap3A_514 : vector<1x16xi32> to vector<16xi32>
      %swap3A_516 = vector.shape_cast %shift_right_logical3A_510 : vector<16xi32> to vector<1x16xi32>
      tpu.vector_store %arg6[%swap3A_512, %swap3A_513], %swap3A_516 {strides = array<i32>} : memref<2x128xi32, #tpu.memory_space<vmem>>, vector<1x16xi32>,
      %and3A_517 = arith.constant 16383 : i32
      %and3A_518 = vector.broadcast %and3A_517 : i32 to vector<16xi32>
      %and3A_519 = arith.andi %get3A_507, %and3A_518 : vector<16xi32>
      %swap3A_520 = arith.constant 0 : i32
      %swap3A_521 = arith.index_cast %swap3A_520 : i32 to index
      %swap3A_522 = arith.constant 32 : index
      %swap3A_523 = tpu.vector_load %arg7[%swap3A_521, %swap3A_522] {strides = array<i32>} : memref<2x128xi32, #tpu.memory_space<vmem>>, vector<1x16xi32>,
      %swap3A_524 = vector.shape_cast %swap3A_523 : vector<1x16xi32> to vector<16xi32>
      %swap3A_525 = vector.shape_cast %and3A_519 : vector<16xi32> to vector<1x16xi32>
      tpu.vector_store %arg7[%swap3A_521, %swap3A_522], %swap3A_525 {strides = array<i32>} : memref<2x128xi32, #tpu.memory_space<vmem>>, vector<1x16xi32>,
      %get3A_526 = arith.index_cast %min3A_459 : i32 to index
      %get3A_527 = arith.constant 48 : index
      %get3A_528 = tpu.vector_load %arg5[%get3A_526, %get3A_527] {strides = array<i32>} : memref<80x128xi32, #tpu.memory_space<vmem>>, vector<1x16xi32>,
      %get3A_529 = vector.shape_cast %get3A_528 : vector<1x16xi32> to vector<16xi32>
      %shift_right_logical3A_530 = arith.constant 14 : i32
      %shift_right_logical3A_531 = vector.broadcast %shift_right_logical3A_530 : i32 to vector<16xi32>
      %shift_right_logical3A_532 = arith.shrui %get3A_529, %shift_right_logical3A_531 : vector<16xi32>
      %swap3A_533 = arith.constant 0 : i32
      %swap3A_534 = arith.index_cast %swap3A_533 : i32 to index
      %swap3A_535 = arith.constant 48 : index
      %swap3A_536 = tpu.vector_load %arg6[%swap3A_534, %swap3A_535] {strides = array<i32>} : memref<2x128xi32, #tpu.memory_space<vmem>>, vector<1x16xi32>,
      %swap3A_537 = vector.shape_cast %swap3A_536 : vector<1x16xi32> to vector<16xi32>
      %swap3A_538 = vector.shape_cast %shift_right_logical3A_532 : vector<16xi32> to vector<1x16xi32>
      tpu.vector_store %arg6[%swap3A_534, %swap3A_535], %swap3A_538 {strides = array<i32>} : memref<2x128xi32, #tpu.memory_space<vmem>>, vector<1x16xi32>,
      %and3A_539 = arith.constant 16383 : i32
      %and3A_540 = vector.broadcast %and3A_539 : i32 to vector<16xi32>
      %and3A_541 = arith.andi %get3A_529, %and3A_540 : vector<16xi32>
      %swap3A_542 = arith.constant 0 : i32
      %swap3A_543 = arith.index_cast %swap3A_542 : i32 to index
      %swap3A_544 = arith.constant 48 : index
      %swap3A_545 = tpu.vector_load %arg7[%swap3A_543, %swap3A_544] {strides = array<i32>} : memref<2x128xi32, #tpu.memory_space<vmem>>, vector<1x16xi32>,
      %swap3A_546 = vector.shape_cast %swap3A_545 : vector<1x16xi32> to vector<16xi32>
      %swap3A_547 = vector.shape_cast %and3A_541 : vector<16xi32> to vector<1x16xi32>
      tpu.vector_store %arg7[%swap3A_543, %swap3A_544], %swap3A_547 {strides = array<i32>} : memref<2x128xi32, #tpu.memory_space<vmem>>, vector<1x16xi32>,
      %get3A_548 = arith.index_cast %min3A_459 : i32 to index
      %get3A_549 = arith.constant 64 : index
      %get3A_550 = tpu.vector_load %arg5[%get3A_548, %get3A_549] {strides = array<i32>} : memref<80x128xi32, #tpu.memory_space<vmem>>, vector<1x16xi32>,
      %get3A_551 = vector.shape_cast %get3A_550 : vector<1x16xi32> to vector<16xi32>
      %shift_right_logical3A_552 = arith.constant 14 : i32
      %shift_right_logical3A_553 = vector.broadcast %shift_right_logical3A_552 : i32 to vector<16xi32>
      %shift_right_logical3A_554 = arith.shrui %get3A_551, %shift_right_logical3A_553 : vector<16xi32>
      %swap3A_555 = arith.constant 0 : i32
      %swap3A_556 = arith.index_cast %swap3A_555 : i32 to index
      %swap3A_557 = arith.constant 64 : index
      %swap3A_558 = tpu.vector_load %arg6[%swap3A_556, %swap3A_557] {strides = array<i32>} : memref<2x128xi32, #tpu.memory_space<vmem>>, vector<1x16xi32>,
      %swap3A_559 = vector.shape_cast %swap3A_558 : vector<1x16xi32> to vector<16xi32>
      %swap3A_560 = vector.shape_cast %shift_right_logical3A_554 : vector<16xi32> to vector<1x16xi32>
      tpu.vector_store %arg6[%swap3A_556, %swap3A_557], %swap3A_560 {strides = array<i32>} : memref<2x128xi32, #tpu.memory_space<vmem>>, vector<1x16xi32>,
      %and3A_561 = arith.constant 16383 : i32
      %and3A_562 = vector.broadcast %and3A_561 : i32 to vector<16xi32>
      %and3A_563 = arith.andi %get3A_551, %and3A_562 : vector<16xi32>
      %swap3A_564 = arith.constant 0 : i32
      %swap3A_565 = arith.index_cast %swap3A_564 : i32 to index
      %swap3A_566 = arith.constant 64 : index
      %swap3A_567 = tpu.vector_load %arg7[%swap3A_565, %swap3A_566] {strides = array<i32>} : memref<2x128xi32, #tpu.memory_space<vmem>>, vector<1x16xi32>,
      %swap3A_568 = vector.shape_cast %swap3A_567 : vector<1x16xi32> to vector<16xi32>
      %swap3A_569 = vector.shape_cast %and3A_563 : vector<16xi32> to vector<1x16xi32>
      tpu.vector_store %arg7[%swap3A_565, %swap3A_566], %swap3A_569 {strides = array<i32>} : memref<2x128xi32, #tpu.memory_space<vmem>>, vector<1x16xi32>,
      %get3A_570 = arith.index_cast %min3A_459 : i32 to index
      %get3A_571 = arith.constant 80 : index
      %get3A_572 = tpu.vector_load %arg5[%get3A_570, %get3A_571] {strides = array<i32>} : memref<80x128xi32, #tpu.memory_space<vmem>>, vector<1x16xi32>,
      %get3A_573 = vector.shape_cast %get3A_572 : vector<1x16xi32> to vector<16xi32>
      %shift_right_logical3A_574 = arith.constant 14 : i32
      %shift_right_logical3A_575 = vector.broadcast %shift_right_logical3A_574 : i32 to vector<16xi32>
      %shift_right_logical3A_576 = arith.shrui %get3A_573, %shift_right_logical3A_575 : vector<16xi32>
      %swap3A_577 = arith.constant 0 : i32
      %swap3A_578 = arith.index_cast %swap3A_577 : i32 to index
      %swap3A_579 = arith.constant 80 : index
      %swap3A_580 = tpu.vector_load %arg6[%swap3A_578, %swap3A_579] {strides = array<i32>} : memref<2x128xi32, #tpu.memory_space<vmem>>, vector<1x16xi32>,
      %swap3A_581 = vector.shape_cast %swap3A_580 : vector<1x16xi32> to vector<16xi32>
      %swap3A_582 = vector.shape_cast %shift_right_logical3A_576 : vector<16xi32> to vector<1x16xi32>
      tpu.vector_store %arg6[%swap3A_578, %swap3A_579], %swap3A_582 {strides = array<i32>} : memref<2x128xi32, #tpu.memory_space<vmem>>, vector<1x16xi32>,
      %and3A_583 = arith.constant 16383 : i32
      %and3A_584 = vector.broadcast %and3A_583 : i32 to vector<16xi32>
      %and3A_585 = arith.andi %get3A_573, %and3A_584 : vector<16xi32>
      %swap3A_586 = arith.constant 0 : i32
      %swap3A_587 = arith.index_cast %swap3A_586 : i32 to index
      %swap3A_588 = arith.constant 80 : index
      %swap3A_589 = tpu.vector_load %arg7[%swap3A_587, %swap3A_588] {strides = array<i32>} : memref<2x128xi32, #tpu.memory_space<vmem>>, vector<1x16xi32>,
      %swap3A_590 = vector.shape_cast %swap3A_589 : vector<1x16xi32> to vector<16xi32>
      %swap3A_591 = vector.shape_cast %and3A_585 : vector<16xi32> to vector<1x16xi32>
      tpu.vector_store %arg7[%swap3A_587, %swap3A_588], %swap3A_591 {strides = array<i32>} : memref<2x128xi32, #tpu.memory_space<vmem>>, vector<1x16xi32>,
      %get3A_592 = arith.index_cast %min3A_459 : i32 to index
      %get3A_593 = arith.constant 96 : index
      %get3A_594 = tpu.vector_load %arg5[%get3A_592, %get3A_593] {strides = array<i32>} : memref<80x128xi32, #tpu.memory_space<vmem>>, vector<1x16xi32>,
      %get3A_595 = vector.shape_cast %get3A_594 : vector<1x16xi32> to vector<16xi32>
      %shift_right_logical3A_596 = arith.constant 14 : i32
      %shift_right_logical3A_597 = vector.broadcast %shift_right_logical3A_596 : i32 to vector<16xi32>
      %shift_right_logical3A_598 = arith.shrui %get3A_595, %shift_right_logical3A_597 : vector<16xi32>
      %swap3A_599 = arith.constant 0 : i32
      %swap3A_600 = arith.index_cast %swap3A_599 : i32 to index
      %swap3A_601 = arith.constant 96 : index
      %swap3A_602 = tpu.vector_load %arg6[%swap3A_600, %swap3A_601] {strides = array<i32>} : memref<2x128xi32, #tpu.memory_space<vmem>>, vector<1x16xi32>,
      %swap3A_603 = vector.shape_cast %swap3A_602 : vector<1x16xi32> to vector<16xi32>
      %swap3A_604 = vector.shape_cast %shift_right_logical3A_598 : vector<16xi32> to vector<1x16xi32>
      tpu.vector_store %arg6[%swap3A_600, %swap3A_601], %swap3A_604 {strides = array<i32>} : memref<2x128xi32, #tpu.memory_space<vmem>>, vector<1x16xi32>,
      %and3A_605 = arith.constant 16383 : i32
      %and3A_606 = vector.broadcast %and3A_605 : i32 to vector<16xi32>
      %and3A_607 = arith.andi %get3A_595, %and3A_606 : vector<16xi32>
      %swap3A_608 = arith.constant 0 : i32
      %swap3A_609 = arith.index_cast %swap3A_608 : i32 to index
      %swap3A_610 = arith.constant 96 : index
      %swap3A_611 = tpu.vector_load %arg7[%swap3A_609, %swap3A_610] {strides = array<i32>} : memref<2x128xi32, #tpu.memory_space<vmem>>, vector<1x16xi32>,
      %swap3A_612 = vector.shape_cast %swap3A_611 : vector<1x16xi32> to vector<16xi32>
      %swap3A_613 = vector.shape_cast %and3A_607 : vector<16xi32> to vector<1x16xi32>
      tpu.vector_store %arg7[%swap3A_609, %swap3A_610], %swap3A_613 {strides = array<i32>} : memref<2x128xi32, #tpu.memory_space<vmem>>, vector<1x16xi32>,
      %get3A_614 = arith.index_cast %min3A_459 : i32 to index
      %get3A_615 = arith.constant 112 : index
      %get3A_616 = tpu.vector_load %arg5[%get3A_614, %get3A_615] {strides = array<i32>} : memref<80x128xi32, #tpu.memory_space<vmem>>, vector<1x16xi32>,
      %get3A_617 = vector.shape_cast %get3A_616 : vector<1x16xi32> to vector<16xi32>
      %shift_right_logical3A_618 = arith.constant 14 : i32
      %shift_right_logical3A_619 = vector.broadcast %shift_right_logical3A_618 : i32 to vector<16xi32>
      %shift_right_logical3A_620 = arith.shrui %get3A_617, %shift_right_logical3A_619 : vector<16xi32>
      %swap3A_621 = arith.constant 0 : i32
      %swap3A_622 = arith.index_cast %swap3A_621 : i32 to index
      %swap3A_623 = arith.constant 112 : index
      %swap3A_624 = tpu.vector_load %arg6[%swap3A_622, %swap3A_623] {strides = array<i32>} : memref<2x128xi32, #tpu.memory_space<vmem>>, vector<1x16xi32>,
      %swap3A_625 = vector.shape_cast %swap3A_624 : vector<1x16xi32> to vector<16xi32>
      %swap3A_626 = vector.shape_cast %shift_right_logical3A_620 : vector<16xi32> to vector<1x16xi32>
      tpu.vector_store %arg6[%swap3A_622, %swap3A_623], %swap3A_626 {strides = array<i32>} : memref<2x128xi32, #tpu.memory_space<vmem>>, vector<1x16xi32>,
      %and3A_627 = arith.constant 16383 : i32
      %and3A_628 = vector.broadcast %and3A_627 : i32 to vector<16xi32>
      %and3A_629 = arith.andi %get3A_617, %and3A_628 : vector<16xi32>
      %swap3A_630 = arith.constant 0 : i32
      %swap3A_631 = arith.index_cast %swap3A_630 : i32 to index
      %swap3A_632 = arith.constant 112 : index
      %swap3A_633 = tpu.vector_load %arg7[%swap3A_631, %swap3A_632] {strides = array<i32>} : memref<2x128xi32, #tpu.memory_space<vmem>>, vector<1x16xi32>,
      %swap3A_634 = vector.shape_cast %swap3A_633 : vector<1x16xi32> to vector<16xi32>
      %swap3A_635 = vector.shape_cast %and3A_629 : vector<16xi32> to vector<1x16xi32>
      tpu.vector_store %arg7[%swap3A_631, %swap3A_632], %swap3A_635 {strides = array<i32>} : memref<2x128xi32, #tpu.memory_space<vmem>>, vector<1x16xi32>,
      %dma_start3A_636 = arith.constant 0 : i32
      %dma_start3A_637 = arith.constant 0 : i32
      %dma_start3A_638 = arith.constant 0 : i32
      %dma_start3A_639 = arith.constant 0 : i32
      %dma_start3A_640 = tpu.memref_slice %arg8[%dma_start3A_637, %dma_start3A_638, %dma_start3A_639] : memref<2x128x128xf32, #tpu.memory_space<vmem>> -> memref<1x128x128xf32, #tpu.memory_space<vmem>>
      %dma_start3A_641 = tpu.memref_squeeze %dma_start3A_640 : memref<1x128x128xf32, #tpu.memory_space<vmem>> -> memref<128x128xf32, #tpu.memory_space<vmem>>
      %dma_start3A_642 = arith.constant 0 : i32
      %dma_start3A_643 = tpu.memref_slice %arg6[%dma_start3A_636, %dma_start3A_642] : memref<2x128xi32, #tpu.memory_space<vmem>> -> memref<1x128xi32, #tpu.memory_space<vmem>>
      %dma_start3A_644 = tpu.memref_squeeze %dma_start3A_643 : memref<1x128xi32, #tpu.memory_space<vmem>> -> memref<128xi32, #tpu.memory_space<vmem>>
      %dma_start3A_645 = arith.constant 0 : i32
      %dma_start3A_646 = arith.constant 0 : i32
      %dma_start3A_647 = tpu.memref_slice %arg3[%dma_start3A_645, %dma_start3A_646] : memref<10000x128xf32, #tpu.memory_space<hbm>> -> memref<10000x128xf32, #tpu.memory_space<hbm>>
      tpu.enqueue_indirect_dma source(%dma_start3A_647 : memref<10000x128xf32, #tpu.memory_space<hbm>>) target(%dma_start3A_641 : memref<128x128xf32, #tpu.memory_space<vmem>>) offsets(%dma_start3A_644 : memref<128xi32, #tpu.memory_space<vmem>>) semaphore(%arg10 : memref<!tpu.dma_semaphore, #tpu.memory_space<semaphore_mem>>)
      %mul3A_648 = arith.constant 2 : i32
      %mul3A_649 = arith.muli %scan3A_439, %mul3A_648 : i32
      %add3A_650 = arith.constant 1 : i32
      %add3A_651 = arith.addi %mul3A_649, %add3A_650 : i32
      %dma_wait3A_652 = arith.constant 1 : i32
      %dma_wait3A_653 = arith.constant 1 : i32
      %dma_wait3A_654 = arith.constant 0 : i32
      %dma_wait3A_655 = arith.constant 0 : i32
      %dma_wait3A_656 = tpu.memref_slice %arg8[%dma_wait3A_653, %dma_wait3A_654, %dma_wait3A_655] : memref<2x128x128xf32, #tpu.memory_space<vmem>> -> memref<1x128x128xf32, #tpu.memory_space<vmem>>
      %dma_wait3A_657 = tpu.memref_squeeze %dma_wait3A_656 : memref<1x128x128xf32, #tpu.memory_space<vmem>> -> memref<128x128xf32, #tpu.memory_space<vmem>>
      %dma_wait3A_658 = arith.constant 0 : i32
      %dma_wait3A_659 = tpu.memref_slice %arg6[%dma_wait3A_652, %dma_wait3A_658] : memref<2x128xi32, #tpu.memory_space<vmem>> -> memref<1x128xi32, #tpu.memory_space<vmem>>
      %dma_wait3A_660 = tpu.memref_squeeze %dma_wait3A_659 : memref<1x128xi32, #tpu.memory_space<vmem>> -> memref<128xi32, #tpu.memory_space<vmem>>
      %dma_wait3A_661 = arith.constant 0 : i32
      %dma_wait3A_662 = arith.constant 0 : i32
      %dma_wait3A_663 = tpu.memref_slice %arg3[%dma_wait3A_661, %dma_wait3A_662] : memref<10000x128xf32, #tpu.memory_space<hbm>> -> memref<10000x128xf32, #tpu.memory_space<hbm>>
      tpu.wait_indirect_dma semaphore(%arg11 : memref<!tpu.dma_semaphore, #tpu.memory_space<semaphore_mem>>) src(%dma_wait3A_663 : memref<10000x128xf32, #tpu.memory_space<hbm>>) dst(%dma_wait3A_657 : memref<128x128xf32, #tpu.memory_space<vmem>>)
      %run_scoped3A_664 = arith.constant 1 : i32
      %run_scoped3A_665 = arith.constant 1 : i32
      "tpu.region"() ({
        %run_scoped3A_858 = tpu.sem_alloc : memref<!tpu.dma_semaphore, #tpu.memory_space<semaphore_mem>>
        %dma_start3A_859 = arith.constant 0 : i32
        %dma_start3A_860 = arith.constant 0 : i32
        %dma_start3A_861 = tpu.memref_slice %arg8[%run_scoped3A_664, %dma_start3A_859, %dma_start3A_860] : memref<2x128x128xf32, #tpu.memory_space<vmem>> -> memref<1x128x128xf32, #tpu.memory_space<vmem>>
        %dma_start3A_862 = tpu.memref_squeeze %dma_start3A_861 : memref<1x128x128xf32, #tpu.memory_space<vmem>> -> memref<128x128xf32, #tpu.memory_space<vmem>>
        %dma_start3A_863 = arith.constant 0 : i32
        %dma_start3A_864 = tpu.memref_slice %arg7[%run_scoped3A_665, %dma_start3A_863] : memref<2x128xi32, #tpu.memory_space<vmem>> -> memref<1x128xi32, #tpu.memory_space<vmem>>
        %dma_start3A_865 = tpu.memref_squeeze %dma_start3A_864 : memref<1x128xi32, #tpu.memory_space<vmem>> -> memref<128xi32, #tpu.memory_space<vmem>>
        %dma_start3A_866 = arith.constant 0 : i32
        %dma_start3A_867 = arith.constant 0 : i32
        %dma_start3A_868 = tpu.memref_slice %arg9[%dma_start3A_866, %dma_start3A_867] : memref<10240x128xf32, #tpu.memory_space<vmem_shared>> -> memref<10240x128xf32, #tpu.memory_space<vmem_shared>>
        tpu.enqueue_indirect_dma source(%dma_start3A_862 : memref<128x128xf32, #tpu.memory_space<vmem>>) target(%dma_start3A_868 : memref<10240x128xf32, #tpu.memory_space<vmem_shared>>) offsets(%dma_start3A_865 : memref<128xi32, #tpu.memory_space<vmem>>) semaphore(%run_scoped3A_858 : memref<!tpu.dma_semaphore, #tpu.memory_space<semaphore_mem>>) {add = true}
        %dma_wait3A_869 = arith.constant 0 : i32
        %dma_wait3A_870 = arith.constant 0 : i32
        %dma_wait3A_871 = tpu.memref_slice %arg8[%run_scoped3A_664, %dma_wait3A_869, %dma_wait3A_870] : memref<2x128x128xf32, #tpu.memory_space<vmem>> -> memref<1x128x128xf32, #tpu.memory_space<vmem>>
        %dma_wait3A_872 = tpu.memref_squeeze %dma_wait3A_871 : memref<1x128x128xf32, #tpu.memory_space<vmem>> -> memref<128x128xf32, #tpu.memory_space<vmem>>
        %dma_wait3A_873 = arith.constant 0 : i32
        %dma_wait3A_874 = tpu.memref_slice %arg7[%run_scoped3A_665, %dma_wait3A_873] : memref<2x128xi32, #tpu.memory_space<vmem>> -> memref<1x128xi32, #tpu.memory_space<vmem>>
        %dma_wait3A_875 = tpu.memref_squeeze %dma_wait3A_874 : memref<1x128xi32, #tpu.memory_space<vmem>> -> memref<128xi32, #tpu.memory_space<vmem>>
        %dma_wait3A_876 = arith.constant 0 : i32
        %dma_wait3A_877 = arith.constant 0 : i32
        %dma_wait3A_878 = tpu.memref_slice %arg9[%dma_wait3A_876, %dma_wait3A_877] : memref<10240x128xf32, #tpu.memory_space<vmem_shared>> -> memref<10240x128xf32, #tpu.memory_space<vmem_shared>>
        tpu.wait_indirect_dma semaphore(%run_scoped3A_858 : memref<!tpu.dma_semaphore, #tpu.memory_space<semaphore_mem>>) src(%dma_wait3A_872 : memref<128x128xf32, #tpu.memory_space<vmem>>) dst(%dma_wait3A_878 : memref<10240x128xf32, #tpu.memory_space<vmem_shared>>)
        tpu.yield
      }) : () -> ()
      %add3A_666 = arith.constant 2 : i32
      %add3A_667 = arith.addi %add3A_651, %add3A_666 : i32
      %min3A_668 = arith.constant 79 : i32
      %min3A_669 = arith.minsi %add3A_667, %min3A_668 : i32
      %get3A_670 = arith.index_cast %min3A_669 : i32 to index
      %get3A_671 = arith.constant 0 : index
      %get3A_672 = tpu.vector_load %arg5[%get3A_670, %get3A_671] {strides = array<i32>} : memref<80x128xi32, #tpu.memory_space<vmem>>, vector<1x16xi32>,
      %get3A_673 = vector.shape_cast %get3A_672 : vector<1x16xi32> to vector<16xi32>
      %shift_right_logical3A_674 = arith.constant 14 : i32
      %shift_right_logical3A_675 = vector.broadcast %shift_right_logical3A_674 : i32 to vector<16xi32>
      %shift_right_logical3A_676 = arith.shrui %get3A_673, %shift_right_logical3A_675 : vector<16xi32>
      %swap3A_677 = arith.constant 1 : i32
      %swap3A_678 = arith.index_cast %swap3A_677 : i32 to index
      %swap3A_679 = arith.constant 0 : index
      %swap3A_680 = tpu.vector_load %arg6[%swap3A_678, %swap3A_679] {strides = array<i32>} : memref<2x128xi32, #tpu.memory_space<vmem>>, vector<1x16xi32>,
      %swap3A_681 = vector.shape_cast %swap3A_680 : vector<1x16xi32> to vector<16xi32>
      %swap3A_682 = vector.shape_cast %shift_right_logical3A_676 : vector<16xi32> to vector<1x16xi32>
      tpu.vector_store %arg6[%swap3A_678, %swap3A_679], %swap3A_682 {strides = array<i32>} : memref<2x128xi32, #tpu.memory_space<vmem>>, vector<1x16xi32>,
      %and3A_683 = arith.constant 16383 : i32
      %and3A_684 = vector.broadcast %and3A_683 : i32 to vector<16xi32>
      %and3A_685 = arith.andi %get3A_673, %and3A_684 : vector<16xi32>
      %swap3A_686 = arith.constant 1 : i32
      %swap3A_687 = arith.index_cast %swap3A_686 : i32 to index
      %swap3A_688 = arith.constant 0 : index
      %swap3A_689 = tpu.vector_load %arg7[%swap3A_687, %swap3A_688] {strides = array<i32>} : memref<2x128xi32, #tpu.memory_space<vmem>>, vector<1x16xi32>,
      %swap3A_690 = vector.shape_cast %swap3A_689 : vector<1x16xi32> to vector<16xi32>
      %swap3A_691 = vector.shape_cast %and3A_685 : vector<16xi32> to vector<1x16xi32>
      tpu.vector_store %arg7[%swap3A_687, %swap3A_688], %swap3A_691 {strides = array<i32>} : memref<2x128xi32, #tpu.memory_space<vmem>>, vector<1x16xi32>,
      %get3A_692 = arith.index_cast %min3A_669 : i32 to index
      %get3A_693 = arith.constant 16 : index
      %get3A_694 = tpu.vector_load %arg5[%get3A_692, %get3A_693] {strides = array<i32>} : memref<80x128xi32, #tpu.memory_space<vmem>>, vector<1x16xi32>,
      %get3A_695 = vector.shape_cast %get3A_694 : vector<1x16xi32> to vector<16xi32>
      %shift_right_logical3A_696 = arith.constant 14 : i32
      %shift_right_logical3A_697 = vector.broadcast %shift_right_logical3A_696 : i32 to vector<16xi32>
      %shift_right_logical3A_698 = arith.shrui %get3A_695, %shift_right_logical3A_697 : vector<16xi32>
      %swap3A_699 = arith.constant 1 : i32
      %swap3A_700 = arith.index_cast %swap3A_699 : i32 to index
      %swap3A_701 = arith.constant 16 : index
      %swap3A_702 = tpu.vector_load %arg6[%swap3A_700, %swap3A_701] {strides = array<i32>} : memref<2x128xi32, #tpu.memory_space<vmem>>, vector<1x16xi32>,
      %swap3A_703 = vector.shape_cast %swap3A_702 : vector<1x16xi32> to vector<16xi32>
      %swap3A_704 = vector.shape_cast %shift_right_logical3A_698 : vector<16xi32> to vector<1x16xi32>
      tpu.vector_store %arg6[%swap3A_700, %swap3A_701], %swap3A_704 {strides = array<i32>} : memref<2x128xi32, #tpu.memory_space<vmem>>, vector<1x16xi32>,
      %and3A_705 = arith.constant 16383 : i32
      %and3A_706 = vector.broadcast %and3A_705 : i32 to vector<16xi32>
      %and3A_707 = arith.andi %get3A_695, %and3A_706 : vector<16xi32>
      %swap3A_708 = arith.constant 1 : i32
      %swap3A_709 = arith.index_cast %swap3A_708 : i32 to index
      %swap3A_710 = arith.constant 16 : index
      %swap3A_711 = tpu.vector_load %arg7[%swap3A_709, %swap3A_710] {strides = array<i32>} : memref<2x128xi32, #tpu.memory_space<vmem>>, vector<1x16xi32>,
      %swap3A_712 = vector.shape_cast %swap3A_711 : vector<1x16xi32> to vector<16xi32>
      %swap3A_713 = vector.shape_cast %and3A_707 : vector<16xi32> to vector<1x16xi32>
      tpu.vector_store %arg7[%swap3A_709, %swap3A_710], %swap3A_713 {strides = array<i32>} : memref<2x128xi32, #tpu.memory_space<vmem>>, vector<1x16xi32>,
      %get3A_714 = arith.index_cast %min3A_669 : i32 to index
      %get3A_715 = arith.constant 32 : index
      %get3A_716 = tpu.vector_load %arg5[%get3A_714, %get3A_715] {strides = array<i32>} : memref<80x128xi32, #tpu.memory_space<vmem>>, vector<1x16xi32>,
      %get3A_717 = vector.shape_cast %get3A_716 : vector<1x16xi32> to vector<16xi32>
      %shift_right_logical3A_718 = arith.constant 14 : i32
      %shift_right_logical3A_719 = vector.broadcast %shift_right_logical3A_718 : i32 to vector<16xi32>
      %shift_right_logical3A_720 = arith.shrui %get3A_717, %shift_right_logical3A_719 : vector<16xi32>
      %swap3A_721 = arith.constant 1 : i32
      %swap3A_722 = arith.index_cast %swap3A_721 : i32 to index
      %swap3A_723 = arith.constant 32 : index
      %swap3A_724 = tpu.vector_load %arg6[%swap3A_722, %swap3A_723] {strides = array<i32>} : memref<2x128xi32, #tpu.memory_space<vmem>>, vector<1x16xi32>,
      %swap3A_725 = vector.shape_cast %swap3A_724 : vector<1x16xi32> to vector<16xi32>
      %swap3A_726 = vector.shape_cast %shift_right_logical3A_720 : vector<16xi32> to vector<1x16xi32>
      tpu.vector_store %arg6[%swap3A_722, %swap3A_723], %swap3A_726 {strides = array<i32>} : memref<2x128xi32, #tpu.memory_space<vmem>>, vector<1x16xi32>,
      %and3A_727 = arith.constant 16383 : i32
      %and3A_728 = vector.broadcast %and3A_727 : i32 to vector<16xi32>
      %and3A_729 = arith.andi %get3A_717, %and3A_728 : vector<16xi32>
      %swap3A_730 = arith.constant 1 : i32
      %swap3A_731 = arith.index_cast %swap3A_730 : i32 to index
      %swap3A_732 = arith.constant 32 : index
      %swap3A_733 = tpu.vector_load %arg7[%swap3A_731, %swap3A_732] {strides = array<i32>} : memref<2x128xi32, #tpu.memory_space<vmem>>, vector<1x16xi32>,
      %swap3A_734 = vector.shape_cast %swap3A_733 : vector<1x16xi32> to vector<16xi32>
      %swap3A_735 = vector.shape_cast %and3A_729 : vector<16xi32> to vector<1x16xi32>
      tpu.vector_store %arg7[%swap3A_731, %swap3A_732], %swap3A_735 {strides = array<i32>} : memref<2x128xi32, #tpu.memory_space<vmem>>, vector<1x16xi32>,
      %get3A_736 = arith.index_cast %min3A_669 : i32 to index
      %get3A_737 = arith.constant 48 : index
      %get3A_738 = tpu.vector_load %arg5[%get3A_736, %get3A_737] {strides = array<i32>} : memref<80x128xi32, #tpu.memory_space<vmem>>, vector<1x16xi32>,
      %get3A_739 = vector.shape_cast %get3A_738 : vector<1x16xi32> to vector<16xi32>
      %shift_right_logical3A_740 = arith.constant 14 : i32
      %shift_right_logical3A_741 = vector.broadcast %shift_right_logical3A_740 : i32 to vector<16xi32>
      %shift_right_logical3A_742 = arith.shrui %get3A_739, %shift_right_logical3A_741 : vector<16xi32>
      %swap3A_743 = arith.constant 1 : i32
      %swap3A_744 = arith.index_cast %swap3A_743 : i32 to index
      %swap3A_745 = arith.constant 48 : index
      %swap3A_746 = tpu.vector_load %arg6[%swap3A_744, %swap3A_745] {strides = array<i32>} : memref<2x128xi32, #tpu.memory_space<vmem>>, vector<1x16xi32>,
      %swap3A_747 = vector.shape_cast %swap3A_746 : vector<1x16xi32> to vector<16xi32>
      %swap3A_748 = vector.shape_cast %shift_right_logical3A_742 : vector<16xi32> to vector<1x16xi32>
      tpu.vector_store %arg6[%swap3A_744, %swap3A_745], %swap3A_748 {strides = array<i32>} : memref<2x128xi32, #tpu.memory_space<vmem>>, vector<1x16xi32>,
      %and3A_749 = arith.constant 16383 : i32
      %and3A_750 = vector.broadcast %and3A_749 : i32 to vector<16xi32>
      %and3A_751 = arith.andi %get3A_739, %and3A_750 : vector<16xi32>
      %swap3A_752 = arith.constant 1 : i32
      %swap3A_753 = arith.index_cast %swap3A_752 : i32 to index
      %swap3A_754 = arith.constant 48 : index
      %swap3A_755 = tpu.vector_load %arg7[%swap3A_753, %swap3A_754] {strides = array<i32>} : memref<2x128xi32, #tpu.memory_space<vmem>>, vector<1x16xi32>,
      %swap3A_756 = vector.shape_cast %swap3A_755 : vector<1x16xi32> to vector<16xi32>
      %swap3A_757 = vector.shape_cast %and3A_751 : vector<16xi32> to vector<1x16xi32>
      tpu.vector_store %arg7[%swap3A_753, %swap3A_754], %swap3A_757 {strides = array<i32>} : memref<2x128xi32, #tpu.memory_space<vmem>>, vector<1x16xi32>,
      %get3A_758 = arith.index_cast %min3A_669 : i32 to index
      %get3A_759 = arith.constant 64 : index
      %get3A_760 = tpu.vector_load %arg5[%get3A_758, %get3A_759] {strides = array<i32>} : memref<80x128xi32, #tpu.memory_space<vmem>>, vector<1x16xi32>,
      %get3A_761 = vector.shape_cast %get3A_760 : vector<1x16xi32> to vector<16xi32>
      %shift_right_logical3A_762 = arith.constant 14 : i32
      %shift_right_logical3A_763 = vector.broadcast %shift_right_logical3A_762 : i32 to vector<16xi32>
      %shift_right_logical3A_764 = arith.shrui %get3A_761, %shift_right_logical3A_763 : vector<16xi32>
      %swap3A_765 = arith.constant 1 : i32
      %swap3A_766 = arith.index_cast %swap3A_765 : i32 to index
      %swap3A_767 = arith.constant 64 : index
      %swap3A_768 = tpu.vector_load %arg6[%swap3A_766, %swap3A_767] {strides = array<i32>} : memref<2x128xi32, #tpu.memory_space<vmem>>, vector<1x16xi32>,
      %swap3A_769 = vector.shape_cast %swap3A_768 : vector<1x16xi32> to vector<16xi32>
      %swap3A_770 = vector.shape_cast %shift_right_logical3A_764 : vector<16xi32> to vector<1x16xi32>
      tpu.vector_store %arg6[%swap3A_766, %swap3A_767], %swap3A_770 {strides = array<i32>} : memref<2x128xi32, #tpu.memory_space<vmem>>, vector<1x16xi32>,
      %and3A_771 = arith.constant 16383 : i32
      %and3A_772 = vector.broadcast %and3A_771 : i32 to vector<16xi32>
      %and3A_773 = arith.andi %get3A_761, %and3A_772 : vector<16xi32>
      %swap3A_774 = arith.constant 1 : i32
      %swap3A_775 = arith.index_cast %swap3A_774 : i32 to index
      %swap3A_776 = arith.constant 64 : index
      %swap3A_777 = tpu.vector_load %arg7[%swap3A_775, %swap3A_776] {strides = array<i32>} : memref<2x128xi32, #tpu.memory_space<vmem>>, vector<1x16xi32>,
      %swap3A_778 = vector.shape_cast %swap3A_777 : vector<1x16xi32> to vector<16xi32>
      %swap3A_779 = vector.shape_cast %and3A_773 : vector<16xi32> to vector<1x16xi32>
      tpu.vector_store %arg7[%swap3A_775, %swap3A_776], %swap3A_779 {strides = array<i32>} : memref<2x128xi32, #tpu.memory_space<vmem>>, vector<1x16xi32>,
      %get3A_780 = arith.index_cast %min3A_669 : i32 to index
      %get3A_781 = arith.constant 80 : index
      %get3A_782 = tpu.vector_load %arg5[%get3A_780, %get3A_781] {strides = array<i32>} : memref<80x128xi32, #tpu.memory_space<vmem>>, vector<1x16xi32>,
      %get3A_783 = vector.shape_cast %get3A_782 : vector<1x16xi32> to vector<16xi32>
      %shift_right_logical3A_784 = arith.constant 14 : i32
      %shift_right_logical3A_785 = vector.broadcast %shift_right_logical3A_784 : i32 to vector<16xi32>
      %shift_right_logical3A_786 = arith.shrui %get3A_783, %shift_right_logical3A_785 : vector<16xi32>
      %swap3A_787 = arith.constant 1 : i32
      %swap3A_788 = arith.index_cast %swap3A_787 : i32 to index
      %swap3A_789 = arith.constant 80 : index
      %swap3A_790 = tpu.vector_load %arg6[%swap3A_788, %swap3A_789] {strides = array<i32>} : memref<2x128xi32, #tpu.memory_space<vmem>>, vector<1x16xi32>,
      %swap3A_791 = vector.shape_cast %swap3A_790 : vector<1x16xi32> to vector<16xi32>
      %swap3A_792 = vector.shape_cast %shift_right_logical3A_786 : vector<16xi32> to vector<1x16xi32>
      tpu.vector_store %arg6[%swap3A_788, %swap3A_789], %swap3A_792 {strides = array<i32>} : memref<2x128xi32, #tpu.memory_space<vmem>>, vector<1x16xi32>,
      %and3A_793 = arith.constant 16383 : i32
      %and3A_794 = vector.broadcast %and3A_793 : i32 to vector<16xi32>
      %and3A_795 = arith.andi %get3A_783, %and3A_794 : vector<16xi32>
      %swap3A_796 = arith.constant 1 : i32
      %swap3A_797 = arith.index_cast %swap3A_796 : i32 to index
      %swap3A_798 = arith.constant 80 : index
      %swap3A_799 = tpu.vector_load %arg7[%swap3A_797, %swap3A_798] {strides = array<i32>} : memref<2x128xi32, #tpu.memory_space<vmem>>, vector<1x16xi32>,
      %swap3A_800 = vector.shape_cast %swap3A_799 : vector<1x16xi32> to vector<16xi32>
      %swap3A_801 = vector.shape_cast %and3A_795 : vector<16xi32> to vector<1x16xi32>
      tpu.vector_store %arg7[%swap3A_797, %swap3A_798], %swap3A_801 {strides = array<i32>} : memref<2x128xi32, #tpu.memory_space<vmem>>, vector<1x16xi32>,
      %get3A_802 = arith.index_cast %min3A_669 : i32 to index
      %get3A_803 = arith.constant 96 : index
      %get3A_804 = tpu.vector_load %arg5[%get3A_802, %get3A_803] {strides = array<i32>} : memref<80x128xi32, #tpu.memory_space<vmem>>, vector<1x16xi32>,
      %get3A_805 = vector.shape_cast %get3A_804 : vector<1x16xi32> to vector<16xi32>
      %shift_right_logical3A_806 = arith.constant 14 : i32
      %shift_right_logical3A_807 = vector.broadcast %shift_right_logical3A_806 : i32 to vector<16xi32>
      %shift_right_logical3A_808 = arith.shrui %get3A_805, %shift_right_logical3A_807 : vector<16xi32>
      %swap3A_809 = arith.constant 1 : i32
      %swap3A_810 = arith.index_cast %swap3A_809 : i32 to index
      %swap3A_811 = arith.constant 96 : index
      %swap3A_812 = tpu.vector_load %arg6[%swap3A_810, %swap3A_811] {strides = array<i32>} : memref<2x128xi32, #tpu.memory_space<vmem>>, vector<1x16xi32>,
      %swap3A_813 = vector.shape_cast %swap3A_812 : vector<1x16xi32> to vector<16xi32>
      %swap3A_814 = vector.shape_cast %shift_right_logical3A_808 : vector<16xi32> to vector<1x16xi32>
      tpu.vector_store %arg6[%swap3A_810, %swap3A_811], %swap3A_814 {strides = array<i32>} : memref<2x128xi32, #tpu.memory_space<vmem>>, vector<1x16xi32>,
      %and3A_815 = arith.constant 16383 : i32
      %and3A_816 = vector.broadcast %and3A_815 : i32 to vector<16xi32>
      %and3A_817 = arith.andi %get3A_805, %and3A_816 : vector<16xi32>
      %swap3A_818 = arith.constant 1 : i32
      %swap3A_819 = arith.index_cast %swap3A_818 : i32 to index
      %swap3A_820 = arith.constant 96 : index
      %swap3A_821 = tpu.vector_load %arg7[%swap3A_819, %swap3A_820] {strides = array<i32>} : memref<2x128xi32, #tpu.memory_space<vmem>>, vector<1x16xi32>,
      %swap3A_822 = vector.shape_cast %swap3A_821 : vector<1x16xi32> to vector<16xi32>
      %swap3A_823 = vector.shape_cast %and3A_817 : vector<16xi32> to vector<1x16xi32>
      tpu.vector_store %arg7[%swap3A_819, %swap3A_820], %swap3A_823 {strides = array<i32>} : memref<2x128xi32, #tpu.memory_space<vmem>>, vector<1x16xi32>,
      %get3A_824 = arith.index_cast %min3A_669 : i32 to index
      %get3A_825 = arith.constant 112 : index
      %get3A_826 = tpu.vector_load %arg5[%get3A_824, %get3A_825] {strides = array<i32>} : memref<80x128xi32, #tpu.memory_space<vmem>>, vector<1x16xi32>,
      %get3A_827 = vector.shape_cast %get3A_826 : vector<1x16xi32> to vector<16xi32>
      %shift_right_logical3A_828 = arith.constant 14 : i32
      %shift_right_logical3A_829 = vector.broadcast %shift_right_logical3A_828 : i32 to vector<16xi32>
      %shift_right_logical3A_830 = arith.shrui %get3A_827, %shift_right_logical3A_829 : vector<16xi32>
      %swap3A_831 = arith.constant 1 : i32
      %swap3A_832 = arith.index_cast %swap3A_831 : i32 to index
      %swap3A_833 = arith.constant 112 : index
      %swap3A_834 = tpu.vector_load %arg6[%swap3A_832, %swap3A_833] {strides = array<i32>} : memref<2x128xi32, #tpu.memory_space<vmem>>, vector<1x16xi32>,
      %swap3A_835 = vector.shape_cast %swap3A_834 : vector<1x16xi32> to vector<16xi32>
      %swap3A_836 = vector.shape_cast %shift_right_logical3A_830 : vector<16xi32> to vector<1x16xi32>
      tpu.vector_store %arg6[%swap3A_832, %swap3A_833], %swap3A_836 {strides = array<i32>} : memref<2x128xi32, #tpu.memory_space<vmem>>, vector<1x16xi32>,
      %and3A_837 = arith.constant 16383 : i32
      %and3A_838 = vector.broadcast %and3A_837 : i32 to vector<16xi32>
      %and3A_839 = arith.andi %get3A_827, %and3A_838 : vector<16xi32>
      %swap3A_840 = arith.constant 1 : i32
      %swap3A_841 = arith.index_cast %swap3A_840 : i32 to index
      %swap3A_842 = arith.constant 112 : index
      %swap3A_843 = tpu.vector_load %arg7[%swap3A_841, %swap3A_842] {strides = array<i32>} : memref<2x128xi32, #tpu.memory_space<vmem>>, vector<1x16xi32>,
      %swap3A_844 = vector.shape_cast %swap3A_843 : vector<1x16xi32> to vector<16xi32>
      %swap3A_845 = vector.shape_cast %and3A_839 : vector<16xi32> to vector<1x16xi32>
      tpu.vector_store %arg7[%swap3A_841, %swap3A_842], %swap3A_845 {strides = array<i32>} : memref<2x128xi32, #tpu.memory_space<vmem>>, vector<1x16xi32>,
      %dma_start3A_846 = arith.constant 1 : i32
      %dma_start3A_847 = arith.constant 1 : i32
      %dma_start3A_848 = arith.constant 0 : i32
      %dma_start3A_849 = arith.constant 0 : i32
      %dma_start3A_850 = tpu.memref_slice %arg8[%dma_start3A_847, %dma_start3A_848, %dma_start3A_849] : memref<2x128x128xf32, #tpu.memory_space<vmem>> -> memref<1x128x128xf32, #tpu.memory_space<vmem>>
      %dma_start3A_851 = tpu.memref_squeeze %dma_start3A_850 : memref<1x128x128xf32, #tpu.memory_space<vmem>> -> memref<128x128xf32, #tpu.memory_space<vmem>>
      %dma_start3A_852 = arith.constant 0 : i32
      %dma_start3A_853 = tpu.memref_slice %arg6[%dma_start3A_846, %dma_start3A_852] : memref<2x128xi32, #tpu.memory_space<vmem>> -> memref<1x128xi32, #tpu.memory_space<vmem>>
      %dma_start3A_854 = tpu.memref_squeeze %dma_start3A_853 : memref<1x128xi32, #tpu.memory_space<vmem>> -> memref<128xi32, #tpu.memory_space<vmem>>
      %dma_start3A_855 = arith.constant 0 : i32
      %dma_start3A_856 = arith.constant 0 : i32
      %dma_start3A_857 = tpu.memref_slice %arg3[%dma_start3A_855, %dma_start3A_856] : memref<10000x128xf32, #tpu.memory_space<hbm>> -> memref<10000x128xf32, #tpu.memory_space<hbm>>
      tpu.enqueue_indirect_dma source(%dma_start3A_857 : memref<10000x128xf32, #tpu.memory_space<hbm>>) target(%dma_start3A_851 : memref<128x128xf32, #tpu.memory_space<vmem>>) offsets(%dma_start3A_854 : memref<128xi32, #tpu.memory_space<vmem>>) semaphore(%arg11 : memref<!tpu.dma_semaphore, #tpu.memory_space<semaphore_mem>>)
    }
    %scan3A_408 = arith.constant 40 : i32
    %dma_wait3A = arith.constant 0 : i32
    %dma_wait3A_409 = arith.constant 0 : i32
    %dma_wait3A_410 = arith.constant 0 : i32
    %dma_wait3A_411 = arith.constant 0 : i32
    %dma_wait3A_412 = tpu.memref_slice %arg8[%dma_wait3A_409, %dma_wait3A_410, %dma_wait3A_411] : memref<2x128x128xf32, #tpu.memory_space<vmem>> -> memref<1x128x128xf32, #tpu.memory_space<vmem>>
    %dma_wait3A_413 = tpu.memref_squeeze %dma_wait3A_412 : memref<1x128x128xf32, #tpu.memory_space<vmem>> -> memref<128x128xf32, #tpu.memory_space<vmem>>
    %dma_wait3A_414 = arith.constant 0 : i32
    %dma_wait3A_415 = tpu.memref_slice %arg6[%dma_wait3A, %dma_wait3A_414] : memref<2x128xi32, #tpu.memory_space<vmem>> -> memref<1x128xi32, #tpu.memory_space<vmem>>
    %dma_wait3A_416 = tpu.memref_squeeze %dma_wait3A_415 : memref<1x128xi32, #tpu.memory_space<vmem>> -> memref<128xi32, #tpu.memory_space<vmem>>
    %dma_wait3A_417 = arith.constant 0 : i32
    %dma_wait3A_418 = arith.constant 0 : i32
    %dma_wait3A_419 = tpu.memref_slice %arg3[%dma_wait3A_417, %dma_wait3A_418] : memref<10000x128xf32, #tpu.memory_space<hbm>> -> memref<10000x128xf32, #tpu.memory_space<hbm>>
    tpu.wait_indirect_dma semaphore(%arg10 : memref<!tpu.dma_semaphore, #tpu.memory_space<semaphore_mem>>) src(%dma_wait3A_419 : memref<10000x128xf32, #tpu.memory_space<hbm>>) dst(%dma_wait3A_413 : memref<128x128xf32, #tpu.memory_space<vmem>>)
    %dma_wait3A_420 = arith.constant 1 : i32
    %dma_wait3A_421 = arith.constant 1 : i32
    %dma_wait3A_422 = arith.constant 0 : i32
    %dma_wait3A_423 = arith.constant 0 : i32
    %dma_wait3A_424 = tpu.memref_slice %arg8[%dma_wait3A_421, %dma_wait3A_422, %dma_wait3A_423] : memref<2x128x128xf32, #tpu.memory_space<vmem>> -> memref<1x128x128xf32, #tpu.memory_space<vmem>>
    %dma_wait3A_425 = tpu.memref_squeeze %dma_wait3A_424 : memref<1x128x128xf32, #tpu.memory_space<vmem>> -> memref<128x128xf32, #tpu.memory_space<vmem>>
    %dma_wait3A_426 = arith.constant 0 : i32
    %dma_wait3A_427 = tpu.memref_slice %arg6[%dma_wait3A_420, %dma_wait3A_426] : memref<2x128xi32, #tpu.memory_space<vmem>> -> memref<1x128xi32, #tpu.memory_space<vmem>>
    %dma_wait3A_428 = tpu.memref_squeeze %dma_wait3A_427 : memref<1x128xi32, #tpu.memory_space<vmem>> -> memref<128xi32, #tpu.memory_space<vmem>>
    %dma_wait3A_429 = arith.constant 0 : i32
    %dma_wait3A_430 = arith.constant 0 : i32
    %dma_wait3A_431 = tpu.memref_slice %arg3[%dma_wait3A_429, %dma_wait3A_430] : memref<10000x128xf32, #tpu.memory_space<hbm>> -> memref<10000x128xf32, #tpu.memory_space<hbm>>
    tpu.wait_indirect_dma semaphore(%arg11 : memref<!tpu.dma_semaphore, #tpu.memory_space<semaphore_mem>>) src(%dma_wait3A_431 : memref<10000x128xf32, #tpu.memory_space<hbm>>) dst(%dma_wait3A_425 : memref<128x128xf32, #tpu.memory_space<vmem>>)
    %barrier3A_432 = arith.constant 0 : index
    tpu.barrier barrier_id(%barrier3A_432)
    %scan3A_433 = arith.constant 0 : i32
    %scan3A_434 = arith.constant 0 : i32
    %scan3A_435 = arith.constant 5 : i32
    %scan3A_436 = arith.addi %scan3A_434, %scan3A_435 : i32
    %scan3A_437 = arith.constant 1 : i32
    scf.for %scan3A_439 = %scan3A_434 to %scan3A_436 step %scan3A_437  : i32 {
      %mul3A_440 = arith.constant 640 : i32
      %mul3A_441 = arith.muli %arg1, %mul3A_440 : i32
      %mul3A_442 = arith.constant 128 : i32
      %mul3A_443 = arith.muli %scan3A_439, %mul3A_442 : i32
      %add3A_444 = arith.addi %mul3A_441, %mul3A_443 : i32
      %run_scoped3A = arith.constant 0 : i32
      "tpu.region"() ({
        %run_scoped3A_449 = tpu.sem_alloc : memref<!tpu.dma_semaphore, #tpu.memory_space<semaphore_mem>>
        %dma_start3A_450 = arith.constant 0 : i32
        %dma_start3A_451 = arith.constant 0 : i32
        %dma_start3A_452 = tpu.memref_slice %arg8[%run_scoped3A, %dma_start3A_450, %dma_start3A_451] : memref<2x128x128xf32, #tpu.memory_space<vmem>> -> memref<1x128x128xf32, #tpu.memory_space<vmem>>
        %dma_start3A_453 = tpu.memref_squeeze %dma_start3A_452 : memref<1x128x128xf32, #tpu.memory_space<vmem>> -> memref<128x128xf32, #tpu.memory_space<vmem>>
        %dma_start3A_454 = arith.constant 0 : i32
        %dma_start3A_455 = tpu.memref_slice %arg9[%add3A_444, %dma_start3A_454] : memref<10240x128xf32, #tpu.memory_space<vmem_shared>> -> memref<128x128xf32, #tpu.memory_space<vmem_shared>>
        %dma_start3A_456 = arith.constant 0 : i32
        %dma_start3A_457 = arith.constant 0 : i32
        %dma_start3A_458 = tpu.memref_slice %arg8[%run_scoped3A, %dma_start3A_456, %dma_start3A_457] : memref<2x128x128xf32, #tpu.memory_space<vmem>> -> memref<1x128x128xf32, #tpu.memory_space<vmem>>
        %dma_start3A_459 = tpu.memref_squeeze %dma_start3A_458 : memref<1x128x128xf32, #tpu.memory_space<vmem>> -> memref<128x128xf32, #tpu.memory_space<vmem>>
        %dma_start3A_460 = arith.constant 0 : i32
        %dma_start3A_461 = tpu.memref_slice %arg9[%add3A_444, %dma_start3A_460] : memref<10240x128xf32, #tpu.memory_space<vmem_shared>> -> memref<128x128xf32, #tpu.memory_space<vmem_shared>>
        tpu.enqueue_dma source(%dma_start3A_461 : memref<128x128xf32, #tpu.memory_space<vmem_shared>>) target(%dma_start3A_459 : memref<128x128xf32, #tpu.memory_space<vmem>>) target_semaphore(%run_scoped3A_449 : memref<!tpu.dma_semaphore, #tpu.memory_space<semaphore_mem>>)
        %dma_wait3A_462 = arith.constant 0 : i32
        %dma_wait3A_463 = arith.constant 0 : i32
        %dma_wait3A_464 = tpu.memref_slice %arg8[%run_scoped3A, %dma_wait3A_462, %dma_wait3A_463] : memref<2x128x128xf32, #tpu.memory_space<vmem>> -> memref<1x128x128xf32, #tpu.memory_space<vmem>>
        %dma_wait3A_465 = tpu.memref_squeeze %dma_wait3A_464 : memref<1x128x128xf32, #tpu.memory_space<vmem>> -> memref<128x128xf32, #tpu.memory_space<vmem>>
        %dma_wait3A_466 = arith.constant 0 : i32
        %dma_wait3A_467 = tpu.memref_slice %arg9[%add3A_444, %dma_wait3A_466] : memref<10240x128xf32, #tpu.memory_space<vmem_shared>> -> memref<128x128xf32, #tpu.memory_space<vmem_shared>>
        %dma_wait3A_468 = arith.constant 0 : i32
        %dma_wait3A_469 = arith.constant 0 : i32
        %dma_wait3A_470 = tpu.memref_slice %arg8[%run_scoped3A, %dma_wait3A_468, %dma_wait3A_469] : memref<2x128x128xf32, #tpu.memory_space<vmem>> -> memref<1x128x128xf32, #tpu.memory_space<vmem>>
        %dma_wait3A_471 = tpu.memref_squeeze %dma_wait3A_470 : memref<1x128x128xf32, #tpu.memory_space<vmem>> -> memref<128x128xf32, #tpu.memory_space<vmem>>
        %dma_wait3A_472 = arith.constant 0 : i32
        %dma_wait3A_473 = tpu.memref_slice %arg9[%add3A_444, %dma_wait3A_472] : memref<10240x128xf32, #tpu.memory_space<vmem_shared>> -> memref<128x128xf32, #tpu.memory_space<vmem_shared>>
        tpu.wait_dma2 semaphore(%run_scoped3A_449 : memref<!tpu.dma_semaphore, #tpu.memory_space<semaphore_mem>>) src(%dma_wait3A_473 : memref<128x128xf32, #tpu.memory_space<vmem_shared>>) dst(%dma_wait3A_471 : memref<128x128xf32, #tpu.memory_space<vmem>>)
        tpu.yield
      }) : () -> ()
      %mul3A_445 = arith.constant 10240 : i32
      %mul3A_446 = arith.muli %arg0, %mul3A_445 : i32
      %add3A_447 = arith.addi %mul3A_446, %add3A_444 : i32
      %run_scoped3A_448 = arith.constant 0 : i32
      "tpu.region"() ({
        %run_scoped3A_449 = tpu.sem_alloc : memref<!tpu.dma_semaphore, #tpu.memory_space<semaphore_mem>>
        %dma_start3A_450 = arith.constant 0 : i32
        %dma_start3A_451 = arith.constant 0 : i32
        %dma_start3A_452 = tpu.memref_slice %arg8[%run_scoped3A_448, %dma_start3A_450, %dma_start3A_451] : memref<2x128x128xf32, #tpu.memory_space<vmem>> -> memref<1x128x128xf32, #tpu.memory_space<vmem>>
        %dma_start3A_453 = tpu.memref_squeeze %dma_start3A_452 : memref<1x128x128xf32, #tpu.memory_space<vmem>> -> memref<128x128xf32, #tpu.memory_space<vmem>>
        %dma_start3A_454 = arith.constant 0 : i32
        %dma_start3A_455 = tpu.memref_slice %arg4[%add3A_447, %dma_start3A_454] : memref<20480x128xf32, #tpu.memory_space<hbm>> -> memref<128x128xf32, #tpu.memory_space<hbm>>
        %dma_start3A_456 = arith.constant 0 : i32
        %dma_start3A_457 = tpu.memref_slice %arg4[%add3A_447, %dma_start3A_456] : memref<20480x128xf32, #tpu.memory_space<hbm>> -> memref<128x128xf32, #tpu.memory_space<hbm>>
        %dma_start3A_458 = arith.constant 0 : i32
        %dma_start3A_459 = arith.constant 0 : i32
        %dma_start3A_460 = tpu.memref_slice %arg8[%run_scoped3A_448, %dma_start3A_458, %dma_start3A_459] : memref<2x128x128xf32, #tpu.memory_space<vmem>> -> memref<1x128x128xf32, #tpu.memory_space<vmem>>
        %dma_start3A_461 = tpu.memref_squeeze %dma_start3A_460 : memref<1x128x128xf32, #tpu.memory_space<vmem>> -> memref<128x128xf32, #tpu.memory_space<vmem>>
        tpu.enqueue_dma source(%dma_start3A_461 : memref<128x128xf32, #tpu.memory_space<vmem>>) target(%dma_start3A_457 : memref<128x128xf32, #tpu.memory_space<hbm>>) target_semaphore(%run_scoped3A_449 : memref<!tpu.dma_semaphore, #tpu.memory_space<semaphore_mem>>)
        %dma_wait3A_462 = arith.constant 0 : i32
        %dma_wait3A_463 = arith.constant 0 : i32
        %dma_wait3A_464 = tpu.memref_slice %arg8[%run_scoped3A_448, %dma_wait3A_462, %dma_wait3A_463] : memref<2x128x128xf32, #tpu.memory_space<vmem>> -> memref<1x128x128xf32, #tpu.memory_space<vmem>>
        %dma_wait3A_465 = tpu.memref_squeeze %dma_wait3A_464 : memref<1x128x128xf32, #tpu.memory_space<vmem>> -> memref<128x128xf32, #tpu.memory_space<vmem>>
        %dma_wait3A_466 = arith.constant 0 : i32
        %dma_wait3A_467 = tpu.memref_slice %arg4[%add3A_447, %dma_wait3A_466] : memref<20480x128xf32, #tpu.memory_space<hbm>> -> memref<128x128xf32, #tpu.memory_space<hbm>>
        %dma_wait3A_468 = arith.constant 0 : i32
        %dma_wait3A_469 = tpu.memref_slice %arg4[%add3A_447, %dma_wait3A_468] : memref<20480x128xf32, #tpu.memory_space<hbm>> -> memref<128x128xf32, #tpu.memory_space<hbm>>
        %dma_wait3A_470 = arith.constant 0 : i32
        %dma_wait3A_471 = arith.constant 0 : i32
        %dma_wait3A_472 = tpu.memref_slice %arg8[%run_scoped3A_448, %dma_wait3A_470, %dma_wait3A_471] : memref<2x128x128xf32, #tpu.memory_space<vmem>> -> memref<1x128x128xf32, #tpu.memory_space<vmem>>
        %dma_wait3A_473 = tpu.memref_squeeze %dma_wait3A_472 : memref<1x128x128xf32, #tpu.memory_space<vmem>> -> memref<128x128xf32, #tpu.memory_space<vmem>>
        tpu.wait_dma2 semaphore(%run_scoped3A_449 : memref<!tpu.dma_semaphore, #tpu.memory_space<semaphore_mem>>) src(%dma_wait3A_473 : memref<128x128xf32, #tpu.memory_space<vmem>>) dst(%dma_wait3A_469 : memref<128x128xf32, #tpu.memory_space<hbm>>)
        tpu.yield
      }) : () -> ()
    }
    %scan3A_438 = arith.constant 5 : i32
    return
  }
}

module attributes {stable_mosaic.version = 14 : i64} {
  func.func @_mlp_body(%arg0: memref<20480x128xf32, #tpu.memory_space<vmem>>, %arg1: memref<10000x128xf32, #tpu.memory_space<vmem>>, %arg2: memref<1x1xf32, #tpu.memory_space<vmem>>, %arg3: memref<128x128xf32, #tpu.memory_space<vmem>>, %arg4: memref<1x128xf32, #tpu.memory_space<vmem>>, %arg5: memref<1x128xf32, #tpu.memory_space<vmem>>, %arg6: memref<1x128xf32, #tpu.memory_space<vmem>>, %arg7: memref<128x128xf32, #tpu.memory_space<vmem>>, %arg8: memref<1x128xf32, #tpu.memory_space<vmem>>, %arg9: memref<1x128xf32, #tpu.memory_space<vmem>>, %arg10: memref<1x128xf32, #tpu.memory_space<vmem>>, %arg11: memref<10000x128xf32, #tpu.memory_space<vmem>>) attributes {dimension_semantics = [], scalar_prefetch = 0 : i64, scratch_operands = 0 : i64, tpu.core_type = #tpu.core_type<tc>} {
    %get3A = arith.constant 0 : index
    %get3A_0 = arith.constant 0 : index
    %get3A_1 = vector.load %arg0[%get3A, %get3A_0] : memref<20480x128xf32, #tpu.memory_space<vmem>>, vector<10000x128xf32>
    %get3A_2 = arith.constant 10240 : index
    %get3A_3 = arith.constant 0 : index
    %get3A_4 = vector.load %arg0[%get3A_2, %get3A_3] : memref<20480x128xf32, #tpu.memory_space<vmem>>, vector<10000x128xf32>
    %add3A = arith.addf %get3A_1, %get3A_4 : vector<10000x128xf32>
    %get3A_5 = arith.constant 0 : index
    %get3A_6 = arith.constant 0 : index
    %get3A_7 = vector.load %arg2[%get3A_5, %get3A_6] : memref<1x1xf32, #tpu.memory_space<vmem>>, vector<1x1xf32>
    %get3A_8 = arith.constant 0 : index
    %get3A_9 = arith.constant 0 : index
    %get3A_10 = vector.load %arg1[%get3A_8, %get3A_9] : memref<10000x128xf32, #tpu.memory_space<vmem>>, vector<10000x128xf32>
    %mul3A = vector.broadcast %get3A_7 : vector<1x1xf32> to vector<10000x128xf32>
    %mul3A_11 = arith.mulf %mul3A, %get3A_10 : vector<10000x128xf32>
    %add3A_12 = arith.addf %add3A, %mul3A_11 : vector<10000x128xf32>
    %get3A_13 = arith.constant 0 : index
    %get3A_14 = arith.constant 0 : index
    %get3A_15 = vector.load %arg3[%get3A_13, %get3A_14] : memref<128x128xf32, #tpu.memory_space<vmem>>, vector<128x128xf32>
    %dot_general3A = arith.constant dense<0.000000e+00> : vector<10000x128xf32>
    %dot_general3A_16 = tpu.matmul %add3A_12, %get3A_15, %dot_general3A {dimension_numbers = #tpu.dot_dimension_numbers<[1], [0], [0], [1], [0, 0, 1, 1], [], []>, transpose_lhs_hint = false} : vector<10000x128xf32>, vector<128x128xf32>, vector<10000x128xf32> -> vector<10000x128xf32>
    %get3A_17 = arith.constant 0 : index
    %get3A_18 = arith.constant 0 : index
    %get3A_19 = vector.load %arg4[%get3A_17, %get3A_18] : memref<1x128xf32, #tpu.memory_space<vmem>>, vector<1x128xf32>
    %add3A_20 = vector.broadcast %get3A_19 : vector<1x128xf32> to vector<10000x128xf32>
    %add3A_21 = arith.addf %dot_general3A_16, %add3A_20 : vector<10000x128xf32>
    %reduce_sum3A = arith.constant dense<0.000000e+00> : vector<128xf32>
    %reduce_sum3A_22 = vector.multi_reduction <add>, %add3A_21, %reduce_sum3A [0] : vector<10000x128xf32> to vector<128xf32>
    %broadcast_in_dim3A = vector.shape_cast %reduce_sum3A_22 : vector<128xf32> to vector<1x128xf32>
    %div3A = arith.constant 1.000000e+04 : f32
    %div3A_23 = vector.broadcast %div3A : f32 to vector<1x128xf32>
    %div3A_24 = arith.divf %broadcast_in_dim3A, %div3A_23 : vector<1x128xf32>
    %sub3A = vector.broadcast %div3A_24 : vector<1x128xf32> to vector<10000x128xf32>
    %sub3A_25 = arith.subf %add3A_21, %sub3A : vector<10000x128xf32>
    %integer_pow3A = arith.mulf %sub3A_25, %sub3A_25 : vector<10000x128xf32>
    %reduce_sum3A_26 = arith.constant dense<0.000000e+00> : vector<128xf32>
    %reduce_sum3A_27 = vector.multi_reduction <add>, %integer_pow3A, %reduce_sum3A_26 [0] : vector<10000x128xf32> to vector<128xf32>
    %broadcast_in_dim3A_28 = vector.shape_cast %reduce_sum3A_27 : vector<128xf32> to vector<1x128xf32>
    %div3A_29 = arith.constant 1.000000e+04 : f32
    %div3A_30 = vector.broadcast %div3A_29 : f32 to vector<1x128xf32>
    %div3A_31 = arith.divf %broadcast_in_dim3A_28, %div3A_30 : vector<1x128xf32>
    %sub3A_32 = vector.broadcast %div3A_24 : vector<1x128xf32> to vector<10000x128xf32>
    %sub3A_33 = arith.subf %add3A_21, %sub3A_32 : vector<10000x128xf32>
    %add3A_34 = arith.constant 9.99999974E-6 : f32
    %add3A_35 = vector.broadcast %add3A_34 : f32 to vector<1x128xf32>
    %add3A_36 = arith.addf %div3A_31, %add3A_35 : vector<1x128xf32>
    %rsqrt3A = math.rsqrt %add3A_36 : vector<1x128xf32>
    %mul3A_37 = vector.broadcast %rsqrt3A : vector<1x128xf32> to vector<10000x128xf32>
    %mul3A_38 = arith.mulf %sub3A_33, %mul3A_37 : vector<10000x128xf32>
    %get3A_39 = arith.constant 0 : index
    %get3A_40 = arith.constant 0 : index
    %get3A_41 = vector.load %arg5[%get3A_39, %get3A_40] : memref<1x128xf32, #tpu.memory_space<vmem>>, vector<1x128xf32>
    %mul3A_42 = vector.broadcast %get3A_41 : vector<1x128xf32> to vector<10000x128xf32>
    %mul3A_43 = arith.mulf %mul3A_38, %mul3A_42 : vector<10000x128xf32>
    %get3A_44 = arith.constant 0 : index
    %get3A_45 = arith.constant 0 : index
    %get3A_46 = vector.load %arg6[%get3A_44, %get3A_45] : memref<1x128xf32, #tpu.memory_space<vmem>>, vector<1x128xf32>
    %add3A_47 = vector.broadcast %get3A_46 : vector<1x128xf32> to vector<10000x128xf32>
    %add3A_48 = arith.addf %mul3A_43, %add3A_47 : vector<10000x128xf32>
    %gt3A = arith.constant 0.000000e+00 : f32
    %gt3A_49 = vector.broadcast %gt3A : f32 to vector<10000x128xf32>
    %gt3A_50 = arith.cmpf ogt, %add3A_48, %gt3A_49 : vector<10000x128xf32>
    %exp3A = math.exp %add3A_48 : vector<10000x128xf32>
    %sub3A_51 = arith.constant 1.000000e+00 : f32
    %sub3A_52 = vector.broadcast %sub3A_51 : f32 to vector<10000x128xf32>
    %sub3A_53 = arith.subf %exp3A, %sub3A_52 : vector<10000x128xf32>
    %select_n3A = arith.select %gt3A_50, %add3A_48, %sub3A_53 : vector<10000x128xi1>, vector<10000x128xf32>
    %get3A_54 = arith.constant 0 : index
    %get3A_55 = arith.constant 0 : index
    %get3A_56 = vector.load %arg7[%get3A_54, %get3A_55] : memref<128x128xf32, #tpu.memory_space<vmem>>, vector<128x128xf32>
    %dot_general3A_57 = arith.constant dense<0.000000e+00> : vector<10000x128xf32>
    %dot_general3A_58 = tpu.matmul %select_n3A, %get3A_56, %dot_general3A_57 {dimension_numbers = #tpu.dot_dimension_numbers<[1], [0], [0], [1], [0, 0, 1, 1], [], []>, transpose_lhs_hint = false} : vector<10000x128xf32>, vector<128x128xf32>, vector<10000x128xf32> -> vector<10000x128xf32>
    %get3A_59 = arith.constant 0 : index
    %get3A_60 = arith.constant 0 : index
    %get3A_61 = vector.load %arg8[%get3A_59, %get3A_60] : memref<1x128xf32, #tpu.memory_space<vmem>>, vector<1x128xf32>
    %add3A_62 = vector.broadcast %get3A_61 : vector<1x128xf32> to vector<10000x128xf32>
    %add3A_63 = arith.addf %dot_general3A_58, %add3A_62 : vector<10000x128xf32>
    %reduce_sum3A_64 = arith.constant dense<0.000000e+00> : vector<128xf32>
    %reduce_sum3A_65 = vector.multi_reduction <add>, %add3A_63, %reduce_sum3A_64 [0] : vector<10000x128xf32> to vector<128xf32>
    %broadcast_in_dim3A_66 = vector.shape_cast %reduce_sum3A_65 : vector<128xf32> to vector<1x128xf32>
    %div3A_67 = arith.constant 1.000000e+04 : f32
    %div3A_68 = vector.broadcast %div3A_67 : f32 to vector<1x128xf32>
    %div3A_69 = arith.divf %broadcast_in_dim3A_66, %div3A_68 : vector<1x128xf32>
    %sub3A_70 = vector.broadcast %div3A_69 : vector<1x128xf32> to vector<10000x128xf32>
    %sub3A_71 = arith.subf %add3A_63, %sub3A_70 : vector<10000x128xf32>
    %integer_pow3A_72 = arith.mulf %sub3A_71, %sub3A_71 : vector<10000x128xf32>
    %reduce_sum3A_73 = arith.constant dense<0.000000e+00> : vector<128xf32>
    %reduce_sum3A_74 = vector.multi_reduction <add>, %integer_pow3A_72, %reduce_sum3A_73 [0] : vector<10000x128xf32> to vector<128xf32>
    %broadcast_in_dim3A_75 = vector.shape_cast %reduce_sum3A_74 : vector<128xf32> to vector<1x128xf32>
    %div3A_76 = arith.constant 1.000000e+04 : f32
    %div3A_77 = vector.broadcast %div3A_76 : f32 to vector<1x128xf32>
    %div3A_78 = arith.divf %broadcast_in_dim3A_75, %div3A_77 : vector<1x128xf32>
    %sub3A_79 = vector.broadcast %div3A_69 : vector<1x128xf32> to vector<10000x128xf32>
    %sub3A_80 = arith.subf %add3A_63, %sub3A_79 : vector<10000x128xf32>
    %add3A_81 = arith.constant 9.99999974E-6 : f32
    %add3A_82 = vector.broadcast %add3A_81 : f32 to vector<1x128xf32>
    %add3A_83 = arith.addf %div3A_78, %add3A_82 : vector<1x128xf32>
    %rsqrt3A_84 = math.rsqrt %add3A_83 : vector<1x128xf32>
    %mul3A_85 = vector.broadcast %rsqrt3A_84 : vector<1x128xf32> to vector<10000x128xf32>
    %mul3A_86 = arith.mulf %sub3A_80, %mul3A_85 : vector<10000x128xf32>
    %get3A_87 = arith.constant 0 : index
    %get3A_88 = arith.constant 0 : index
    %get3A_89 = vector.load %arg9[%get3A_87, %get3A_88] : memref<1x128xf32, #tpu.memory_space<vmem>>, vector<1x128xf32>
    %mul3A_90 = vector.broadcast %get3A_89 : vector<1x128xf32> to vector<10000x128xf32>
    %mul3A_91 = arith.mulf %mul3A_86, %mul3A_90 : vector<10000x128xf32>
    %get3A_92 = arith.constant 0 : index
    %get3A_93 = arith.constant 0 : index
    %get3A_94 = vector.load %arg10[%get3A_92, %get3A_93] : memref<1x128xf32, #tpu.memory_space<vmem>>, vector<1x128xf32>
    %add3A_95 = vector.broadcast %get3A_94 : vector<1x128xf32> to vector<10000x128xf32>
    %add3A_96 = arith.addf %mul3A_91, %add3A_95 : vector<10000x128xf32>
    %gt3A_97 = arith.constant 0.000000e+00 : f32
    %gt3A_98 = vector.broadcast %gt3A_97 : f32 to vector<10000x128xf32>
    %gt3A_99 = arith.cmpf ogt, %add3A_96, %gt3A_98 : vector<10000x128xf32>
    %exp3A_100 = math.exp %add3A_96 : vector<10000x128xf32>
    %sub3A_101 = arith.constant 1.000000e+00 : f32
    %sub3A_102 = vector.broadcast %sub3A_101 : f32 to vector<10000x128xf32>
    %sub3A_103 = arith.subf %exp3A_100, %sub3A_102 : vector<10000x128xf32>
    %select_n3A_104 = arith.select %gt3A_99, %add3A_96, %sub3A_103 : vector<10000x128xi1>, vector<10000x128xf32>
    %swap3A = arith.constant 0 : index
    %swap3A_105 = arith.constant 0 : index
    %swap3A_106 = vector.load %arg11[%swap3A, %swap3A_105] : memref<10000x128xf32, #tpu.memory_space<vmem>>, vector<10000x128xf32>
    tpu.vector_store %arg11[%swap3A, %swap3A_105], %select_n3A_104 {strides = array<i32>} : memref<10000x128xf32, #tpu.memory_space<vmem>>, vector<10000x128xf32>,
    return
  }
}

</mosaic_0001>

<sc_bundles>
// kernel: kernel.4.cloned.1.call-start
scs
__scs_entry_jumppad:
0x0: {  	(pc) =	sbr.rel $0x88, $3  }
0x1: {  	(tag) =	ssettag $0x0;
	lr =	simm.s32 $0x1  }
0x2: {  	[smem:$0x3F96] =	sst lr;
	_ =	strace $0xD0000000  }
0x3: {  	_ = 	snop  }
0x4: {  	_ = 	snop  }
0x5: {  	_ = 	snop  }
0x6: {  	_ = 	snop  }
0x7: {  	_ = 	snop  }
__scs_overlays_trampoline_lowered:
0x8: {  	[smem:$0x3FA5] =	sst s0  }
0x9: {  	[smem:$0x3FA6] =	sst s1  }
0xa: {  	[smem:$0x3FA7] =	sst s2  }
0xb: {  	[smem:$0x3FA8] =	sst s3  }
0xc: {  	[smem:$0x3FA9] =	sst s4  }
0xd: {  	[smem:$0x3FAA] =	sst s5  }
0xe: {  	[smem:$0x3FAB] =	sst s6  }
0xf: {  	[smem:$0x3FAC] =	sst s7  }
0x10: {  	[smem:$0x3FAD] =	sst s8  }
0x11: {  	[smem:$0x3FAE] =	sst s9;
	s0 =	simm.s32 @!p0 $0x0  }
0x12: {  	s1 =	sld [smem:$0x3F94];
	s0 =	simm.s32 @p0 $0x1  }
0x13: {  	[smem:$0x3FAF] =	sst s0;
	s0 =	simm.s32 @!p1 $0x0  }
0x14: {  	s2 =	sld [smem:$0x3F93];
	s0 =	simm.s32 @p1 $0x1  }
0x15: {  	[smem:$0x3FB0] =	sst s0;
	s0 =	simm.s32 @!p2 $0x0  }
0x16: {  	s3 =	sld [smem:$0x3FDB];
	s0 =	simm.s32 @p2 $0x1  }
0x17: {  	s4 =	simm.s32 $0x1BF5;
	[smem:$0x3FB2] =	sst s0  }
0x18: {  	s0 =	sld [smem:$0x3F95];
	_ =	swait.ge [sflag:s4], $0x0  }
0x19: {  	s7 =	sld [smem:$0x3F96]  }
0x1a: {  	s8 =	sadd.s32 $0xFFFFE003, lr  }
0x1b: {  	s9 =	sadd.s32 $0xFFFFFEF7, lr;
	s5 =	simm.s32 $0xFFFFFFFF;
	p2 =	slt.u32 s8, $0xFFFFF086  }
0x1c: {  	p1 =	slt.u32 s9, $0xF7A;
	s5 =	simm.s32 @!p2 $0x0  }
0x1d: {  	s5 =	simm.s32 @p1 $0x1;
	p0 =	seq.s32 s7, s2  }
0x1e: {  	s7 =	smul.u32 @!p0 $0xF7A, s2;
	p2 =	seq.s32 @!p0 s5, $0x0  }
0x1f: {  	s9 =	smul.u32 $0xF7A, s1;
	s8 =	simm.s32 @!p0 $0x1BF5;
	p2 =	por !p2, p0  }
0x20: {  	[sflag:s8] =	ssyncset.s32 @!p0 $0xFFFFF086;
	s6 =	sadd.s32 @!p0 s3, s7;
	s7 =	simm.s32 @!p0 $0x108  }
0x21: {  	s3 =	sadd.s32 s3, s9;
	s6 =	sadd.s32 @!p0 $0x88, s6;
	s7 =	simm.s32 @p2 $0x1082  }
0x22: {  	[simem:s7], [sflag:s8] =	dma.local @!p0 [hbm:s6], $0xF7A  }
0x23: {  	s9 =	sor.u32 $0xD0000000, s2;
	s6 =	simm.s32 $0x108;
	_ =	swait.ge @!p0 [sflag:s8], $0x0  }
0x24: {  	s3 =	sadd.s32 $0x88, s3;
	s6 =	simm.s32 @!p1 $0x1082;
	[sflag:s4] =	ssyncset.s32 $0xFFFFF086  }
0x25: {  	[simem:s6], [sflag:s4] =	dma.local [hbm:s3], $0xF7A  }
0x26: {  	[smem:$0x3F96] =	sst s1;
	(tag) =	ssettag s2;
	_ =	strace s9  }
0x27: {  	s1 =	sld [smem:$0x3FA6]  }
0x28: {  	s2 =	sld [smem:$0x3FA7]  }
0x29: {  	s4 =	sld [smem:$0x3FA9]  }
0x2a: {  	p0 =	seq.s32 s5, $0x0;
	s5 =	sld [smem:$0x3FAA]  }
0x2b: {  	s6 =	sld [smem:$0x3FAB]  }
0x2c: {  	s7 =	sld [smem:$0x3FAC]  }
0x2d: {  	s3 =	simm.s32 $0x108;
	s8 =	sld [smem:$0x3FAD]  }
0x2e: {  	s3 =	simm.s32 @!p0 $0x1082;
	s9 =	sld [smem:$0x3FAE]  }
0x2f: {  	lr =	sadd.s32 s0, s3;
	s0 =	sld [smem:$0x3FA5]  }
0x30: {  	s3 =	sld [smem:$0x3FA8]  }
0x31: {  	[smem:$0x3FB1] =	sst s10  }
0x32: {  	s10 =	sld [smem:$0x3FAF];
	_ =	sdelay $0x3  }
0x33: {  	p0 =	seq.s32 s10, $0x1;
	s10 =	sld [smem:$0x3FB1];
	_ =	sdelay $0x3  }
0x34: {  	[smem:$0x3FB1] =	sst s10  }
0x35: {  	s10 =	sld [smem:$0x3FB0];
	_ =	sdelay $0x3  }
0x36: {  	p1 =	seq.s32 s10, $0x1;
	s10 =	sld [smem:$0x3FB1];
	_ =	sdelay $0x3  }
0x37: {  	[smem:$0x3FB1] =	sst s10  }
0x38: {  	s10 =	sld [smem:$0x3FB2]  }
0x39: {  	_ = 	snop;
	(pc) =	sbr.ind lr, $3  }
0x3a: {  	_ = 	snop  }
0x3b: {  	_ = 	snop  }
0x3c: {  	p2 =	seq.s32 s10, $0x1;
	s10 =	sld [smem:$0x3FB1]  }
0x3d: {  	_ =	shalt  }
0x3e: {  	_ =	shalt  }
0x3f: {  	_ =	shalt  }
0x40: {  	_ =	shalt  }
0x41: {  	_ =	shalt  }
0x42: {  	_ =	shalt  }
0x43: {  	_ =	shalt  }
0x44: {  	_ =	shalt  }
0x45: {  	_ =	shalt  }
0x46: {  	_ =	shalt  }
0x47: {  	_ =	shalt  }
0x48: {  	_ =	shalt  }
0x49: {  	_ =	shalt  }
0x4a: {  	_ =	shalt  }
0x4b: {  	_ =	shalt  }
0x4c: {  	_ =	shalt  }
0x4d: {  	_ =	shalt  }
0x4e: {  	_ =	shalt  }
0x4f: {  	_ =	shalt  }
0x50: {  	_ =	shalt  }
0x51: {  	_ =	shalt  }
0x52: {  	_ =	shalt  }
0x53: {  	_ =	shalt  }
0x54: {  	_ =	shalt  }
0x55: {  	_ =	shalt  }
0x56: {  	_ =	shalt  }
0x57: {  	_ =	shalt  }
0x58: {  	_ =	shalt  }
0x59: {  	_ =	shalt  }
0x5a: {  	_ =	shalt  }
0x5b: {  	_ =	shalt  }
0x5c: {  	_ =	shalt  }
0x5d: {  	_ =	shalt  }
0x5e: {  	_ =	shalt  }
0x5f: {  	_ =	shalt  }
0x60: {  	_ =	shalt  }
0x61: {  	_ =	shalt  }
0x62: {  	_ =	shalt  }
0x63: {  	_ =	shalt  }
0x64: {  	_ =	shalt  }
0x65: {  	_ =	shalt  }
0x66: {  	_ =	shalt  }
0x67: {  	_ =	shalt  }
0x68: {  	_ =	shalt  }
0x69: {  	_ =	shalt  }
0x6a: {  	_ =	shalt  }
0x6b: {  	_ =	shalt  }
0x6c: {  	_ =	shalt  }
0x6d: {  	_ =	shalt  }
0x6e: {  	_ =	shalt  }
0x6f: {  	_ =	shalt  }
0x70: {  	_ =	shalt  }
0x71: {  	_ =	shalt  }
0x72: {  	_ =	shalt  }
0x73: {  	_ =	shalt  }
0x74: {  	_ =	shalt  }
0x75: {  	_ =	shalt  }
0x76: {  	_ =	shalt  }
0x77: {  	_ =	shalt  }
0x78: {  	_ =	shalt  }
0x79: {  	_ =	shalt  }
0x7a: {  	_ =	shalt  }
0x7b: {  	_ =	shalt  }
0x7c: {  	_ =	shalt  }
0x7d: {  	_ =	shalt  }
0x7e: {  	_ =	shalt  }
0x7f: {  	_ =	shalt  }
0x80: {  	_ =	shalt  }
0x81: {  	_ =	shalt  }
0x82: {  	_ =	shalt  }
0x83: {  	_ =	shalt  }
0x84: {  	_ =	shalt  }
0x85: {  	_ =	shalt  }
0x86: {  	_ =	shalt  }
0x87: {  	_ =	shalt  }
.Lfunc_end0:
.L_simem_size_0:
called_computation_lowered:
.L_overlay_start_0:
0x88: {  	s2 =	sld [smem:$0x3FD9]  }
0x89: {  	s3 =	sld [smem:$0x3FFE];
	_ =	sdelay $0x1  }
0x8a: {  	s1 =	srdreg.scid  }
0x8b: {  	s0 =	sand.u32 $0x1, s1  }
0x8c: {  	s17 =	sshll.u32 s0, $0xA;
	s2 =	sadd.s32 s3, s2  }
0x8d: {  	s2 =	sadd.s32 s2, s17  }
0x8e: {  	[smem:$0x3FBD] =	sst s2  }
0x8f: {  	_ = 	snop  }
0x90: {  	s2 =	sld [smem:$0x3FC9]  }
0x91: {  	s18 =	sld [smem:$0x3FD0];
	(tm) =	ssettm $0x1  }
0x92: {  	s4 =	sld [smem:$0x3FFB];
	_ =	sdelay $0x3  }
0x93: {  	_ =	strace s4  }
0x94: {  	s4 =	sld [smem:$0x3FFC];
	_ =	sdelay $0x3  }
0x95: {  	_ =	strace s4  }
0x96: {  	s4 =	sld [smem:$0x3FFD];
	_ =	sdelay $0x3  }
0x97: {  	_ =	strace s4  }
0x98: {  	_ =	strace $0x8FFFFFFF  }
0x99: {  	s19 =	sld [smem:$0x3FDB];
	_ =	sdelay $0x1  }
0x9a: {  	s5 =	simm.s32 $_scs_section_size  }
0x9b: {  	s6 =	simm.s32 $_size__tile_overlayer_lowered;
	s7 =	simm.s32 $_tile_overlayer_lowered  }
0x9c: {  	s22 =	simm.s32 $0x1BFF;
	s21 =	sshll.u32 s7, $0x1;
	s4 =	sadd.s32 s5, s19  }
0x9d: {  	s8 =	simm.s32 $0x0;
	s20 =	sshll.u32 s6, $0x1;
	s6 =	sadd.s32 s21, s4  }
0x9e: {  	[timem:s8], [sflag:s22] =	dma.local [hbm:s6], s20  }
0x9f: {  	_ =	swait.ge [sflag:s22], s20  }
0xa0: {  	s5 =	ssub.s32 $0x0, s20;
	[sflag:s22] =	ssyncset.done $0x0  }
0xa1: {  	[sflag:s22] =	ssyncadd.s32 s5;
	_ =	sdelay $0x1  }
0xa2: {  	s23 =	simm.s32 $0x1B8B  }
0xa3: {  	_ =	swait.ge [sflag:s23], $0x1  }
0xa4: {  	[sflag:s23] =	ssyncset.done $0x0  }
0xa5: {  	s25 =	simm.s32 $0x1B8E;
	s24 =	sld [smem:$0x3FFE];
	[sflag:s23] =	ssyncadd.s32 $0xFFFFFFFF  }
0xa6: {  	s26 =	simm.s32 $execute0_lowered;
	[smem:$0x3FD2] =	sst s25  }
0xa7: {  	s6 =	sshll.u32 s26, $0x1;
	_ =	strace $0x80000046;
	[dreg:$0x1] =	wrdreg $0xFFFFFFFF  }
0xa8: {  	s28 =	simm.s32 $_size_execute0_lowered;
	s4 =	sadd.s32 s4, s6;
	[dreg:$0x0] =	wrdreg $0x0  }
0xa9: {  	s6 =	sshll.u32 s28, $0x1;
	[dreg:$0x2] =	wrdreg s4  }
0xaa: {  	[dreg:$0x3] =	wrdreg s6  }
0xab: {  	[dreg:$0x4] =	wrdreg $0xC0  }
0xac: {  	_ =	task [dreg:s8], $0x5FFFF  }
0xad: {  	[dreg:$0x1] =	wrdreg $0xFFFFFFFF  }
0xae: {  	[dreg:$0x0] =	wrdreg $0x60  }
0xaf: {  	[dreg:$0x2] =	wrdreg s18  }
0xb0: {  	[dreg:$0x3] =	wrdreg s2  }
0xb1: {  	[dreg:$0x4] =	wrdreg s24  }
0xb2: {  	[dreg:$0x5] =	wrdreg $0xAA000  }
0xb3: {  	[dreg:$0x6] =	wrdreg $0x9  }
0xb4: {  	_ =	task.clear_ibuf [dreg:s8], $0x7FFFF;
	_ =	strace $0x90000046  }
0xb5: {  	s29 =	simm.s32 $0x9;
	_ =	strace $0x80000048  }
0xb6: {  	_ =	swait.ge [sflag:s29], $0x1  }
0xb7: {  	[sflag:s29] =	ssyncadd.s32 $0xFFFFFFFF  }
0xb8: {  	_ =	strace $0x90000048  }
0xb9: {  	_ =	sfence  }
0xba: {  	s30 =	sld [smem:$0x0];
	_ =	sdelay $0x2  }
0xbb: {  	s31 =	sshll.u32 s1, $0xD;
	s1 =	sshrl.u32 s1, $0x2  }
0xbc: {  	s3 =	sand.u32 $0x4000, s31;
	s1 =	sadd.s32 s1, s30  }
0xbd: {  	s0 =	sor.u32 s3, s0;
	s1 =	sshll.u32 s1, $0x11  }
0xbe: {  	s0 =	sor.u32 s1, s0  }
0xbf: {  	s0 =	sadd.s32 $0x8F2B, s0  }
0xc0: {  	[sflag:s0] =	ssyncadd.remote.s32 $0x1  }
0xc1: {  	_ =	sfence.sel $0xFFFF  }
0xc2: {  	[dreg:$0x0] =	wrdreg $0xFFFFFFFF;
	(pc) =	sbr.abs _section_cstart, $3  }
0xc3: {  	[dreg:$0x1] =	wrdreg $0xFFFFFFFF  }
0xc4: {  	_ =	task.clear_ibuf [dreg:s8], $0x2FFFF;
	_ =	strace $0x9FFFFFFF  }
0xc5: {  	(tm) =	ssettm $0x7FFFFFFF  }
tec
execute0_lowered:
.L_overlay_start_1:
0x0: {  	(tag) =	ssettag $0x1  }
0x1: {  	s0 =	rddreg [dreg:$0x0]  }
0x2: {  	s1 =	rddreg [dreg:$0x1]  }
0x3: {  	s3 =	rddreg [dreg:$0x2]  }
0x4: {  	s2 =	rddreg [dreg:$0x3];
	s4 =	srdreg.scid  }
0x5: {  	s10 =	stileid.u32;
	s28 =	simm.s32 $0x1;
	s29 =	simm.s32 $0x2900  }
0x6: {  	s30 =	simm.s32 $0x2;
	s31 =	simm.s32 $0x2980;
	s5 =	sand.u32 $0x1, s4  }
0x7: {  	s4 =	simm.s32 $0x0;
	s7 =	smul.u32 $0x50000, s10;
	s3 =	sadd.s32 $0x1600, s3  }
0x8: {  	s18 =	smul.u32 $0x280, s10;
	s6 =	sshll.u32 s5, $0x4;
	[smem:$0x7FF] =	sst s4  }
0x9: {  	s8 =	ssub.s32 $0x2, s5;
	s19 =	smul.u32 $0x2800, s5;
	s6 =	sor.u32 s10, s6  }
0xa: {  	_ =	strace $0x80000047;
	s9 =	sshrl.u32 s8, $0x1;
	s7 =	sshrl.u32 s7, $0x2  }
0xb: {  	s14 =	sadd.s32 $0x80, s18;
	s16 =	sadd.s32 $0x100, s18;
	s21 =	sadd.s32 $0x180, s18  }
0xc: {  	s24 =	sadd.s32 $0x200, s18;
	s6 =	smul.u32 $0x500, s6;
	s8 =	ssub.s32 s8, s9  }
0xd: {  	s5 =	sadd.s32 s7, s2;
	s13 =	sadd.s32 s19, s18;
	s15 =	sadd.s32 s19, s14  }
0xe: {  	s17 =	sadd.s32 s19, s16;
	s20 =	sshll.u32 s16, $0x7;
	s22 =	sshll.u32 s21, $0x7  }
0xf: {  	s23 =	sadd.s32 s19, s21;
	s25 =	sshll.u32 s24, $0x7;
	s21 =	simm.s32 $0x2A00  }
0x10: {  	s12 =	smax.u32 s8, $0x1;
	s8 =	sadd.s32 $0x4000, s5;
	s9 =	sadd.s32 $0x8000, s5  }
0x11: {  	s10 =	sadd.s32 $0xC000, s5;
	s0 =	sadd.s32 s0, s6;
	[dreg:$0x6] =	wrdreg s12  }
0x12: {  	s11 =	sadd.s32 $0x10000, s5;
	s6 =	sshll.u32 s14, $0x7;
	[dreg:$0x5] =	wrdreg s0  }
0x13: {  	s0 =	sshll.u32 s13, $0x4;
	s13 =	sadd.s32 s6, s2;
	s6 =	sadd.s32 s19, s24  }
0x14: {  	s19 =	sadd.s32 s25, s2;
	s24 =	simm.s32 $0x2800;
	s25 =	simm.s32 $0x2880  }
0x15: {  	s12 =	sadd.s32 s3, s0;
	s0 =	sshll.u32 s15, $0x4;
	s15 =	sadd.s32 s20, s2  }
0x16: {  	s26 =	sshll.u32 s6, $0x4;
	s14 =	sadd.s32 s3, s0;
	s0 =	sshll.u32 s17, $0x4  }
0x17: {  	s17 =	sadd.s32 s22, s2;
	s20 =	sadd.s32 s3, s26;
	s22 =	simm.s32 $0x3  }
0x18: {  	s26 =	simm.s32 $0x6A00;
	s16 =	sadd.s32 s3, s0;
	s0 =	sshll.u32 s23, $0x4  }
0x19: {  	v0 =	vimm.f32 $0.0e+00;
	s23 =	simm.s32 $0x80;
	s18 =	sadd.s32 s3, s0;
	s0 =	simm.s32 $0x0  }
.LBB2_1:
0x1a: {  	s3 =	simm.s32 $0x0;
	s6 =	simm.s32 $0x200  }
.LBB2_2:
0x1b: {  	p0 =	sne.s32 s6, $0xFE00;
	[tilespmem:s3+$0x2A70] =	vst v0  }
0x1c: {  	[tilespmem:s3+$0x2A00] =	vst v0  }
0x1d: {  	[tilespmem:s3+$0x2A10] =	vst v0  }
.Ltmp0:
0x1e: {  	[tilespmem:s3+$0x2A20] =	vst v0;
	(pc) =	sbr.rel @p0 .LBB2_2-.Ltmp0, $4  }
0x1f: {  	[tilespmem:s3+$0x2A30] =	vst v0  }
0x20: {  	[tilespmem:s3+$0x2A40] =	vst v0  }
0x21: {  	[tilespmem:s3+$0x2A50] =	vst v0  }
0x22: {  	[tilespmem:s3+$0x2A60] =	vst v0;
	s3 =	sshra.s32 s6, $0x2;
	s6 =	sadd.s32 $0x200, s6  }
0x23: {  	[tilespmem:s3+$0x2A70] =	vst v0  }
0x24: {  	[tilespmem:s3+$0x2A00] =	vst v0  }
0x25: {  	[tilespmem:s3+$0x2A10] =	vst v0  }
0x26: {  	[tilespmem:s3+$0x2A20] =	vst v0  }
0x27: {  	[tilespmem:s3+$0x2A30] =	vst v0  }
0x28: {  	[tilespmem:s3+$0x2A40] =	vst v0  }
0x29: {  	[tilespmem:s3+$0x2A50] =	vst v0  }
0x2a: {  	[tilespmem:s3+$0x2A60] =	vst v0  }
0x2b: {  	[spmem:s5] =	stream.linear.scatter [tilespmem:s21], [sflag:$0x3], $0x4000, $0x38;
	[tilespmem:$0x1EA00] =	vst v63  }
0x2c: {  	_ =	swait.ge [sflag:s22], $0x4000  }
0x2d: {  	[sflag:s22] =	ssyncset.done $0x0  }
0x2e: {  	[sflag:s22] =	ssyncadd.s32 $0xFFFFC000  }
0x2f: {  	[spmem:s8] =	stream.linear.scatter [tilespmem:s21], [sflag:$0x3], $0x4000, $0x38;
	[tilespmem:$0x1EA00] =	vst v63  }
0x30: {  	_ =	swait.ge [sflag:s22], $0x4000  }
0x31: {  	[sflag:s22] =	ssyncset.done $0x0  }
0x32: {  	[sflag:s22] =	ssyncadd.s32 $0xFFFFC000  }
0x33: {  	[spmem:s9] =	stream.linear.scatter [tilespmem:s21], [sflag:$0x3], $0x4000, $0x38;
	[tilespmem:$0x1EA00] =	vst v63  }
0x34: {  	_ =	swait.ge [sflag:s22], $0x4000  }
0x35: {  	[sflag:s22] =	ssyncset.done $0x0  }
0x36: {  	[sflag:s22] =	ssyncadd.s32 $0xFFFFC000  }
0x37: {  	[spmem:s10] =	stream.linear.scatter [tilespmem:s21], [sflag:$0x3], $0x4000, $0x38;
	[tilespmem:$0x1EA00] =	vst v63  }
0x38: {  	_ =	swait.ge [sflag:s22], $0x4000  }
0x39: {  	[sflag:s22] =	ssyncset.done $0x0  }
0x3a: {  	[sflag:s22] =	ssyncadd.s32 $0xFFFFC000  }
0x3b: {  	[spmem:s11] =	stream.linear.scatter [tilespmem:s21], [sflag:$0x3], $0x4000, $0x38;
	[tilespmem:$0x1EA00] =	vst v63  }
0x3c: {  	_ =	swait.ge [sflag:s22], $0x4000  }
0x3d: {  	[sflag:s22] =	ssyncset.done $0x0  }
0x3e: {  	[sflag:s22] =	ssyncadd.s32 $0xFFFFC000  }
0x3f: {  	[bflag:$0x0] =	sbarrier.arrive $0xFFFF  }
0x40: {  	s3 =	simm.s32 $0x0;
	s6 =	rddreg [dreg:$0x5]  }
0x41: {  	[tilespmem:s3], [sflag:$0x3] =	stream.linear.gather [hbm4b:s6+s3], $0x2800, $0x38;
	[tilespmem:$0x1EA00] =	vst v63  }
0x42: {  	_ =	swait.ge [sflag:s22], $0x2800  }
0x43: {  	[sflag:s22] =	ssyncset.done $0x0  }
0x44: {  	[sflag:s22] =	ssyncadd.s32 $0xFFFFD800  }
0x45: {  	v1 =	vld [tilespmem:$0x0];
	_ =	sdelay $0x1  }
0x46: {  	v2 =	vld [tilespmem:$0x10];
	_ =	sdelay $0x1  }
0x47: {  	v3 =	vld [tilespmem:$0x20]  }
0x48: {  	v4 =	vshrl.u32 v1, $0xE  }
0x49: {  	v59 =	vld [tilespmem:$0x30];
	v1 =	vand.u32 $0x3FFF, v1;
	[tilespmem:$0x2800] =	vst v4  }
0x4a: {  	[tilespmem:$0x2900] =	vst v1;
	v1 =	vshrl.u32 v2, $0xE  }
0x4b: {  	[tilespmem:$0x2810] =	vst v1;
	v1 =	vand.u32 $0x3FFF, v2;
	v2 =	vld [tilespmem:$0x40]  }
0x4c: {  	[tilespmem:$0x2910] =	vst v1;
	v1 =	vshrl.u32 v3, $0xE  }
0x4d: {  	[tilespmem:$0x2820] =	vst v1;
	v1 =	vand.u32 $0x3FFF, v3;
	v3 =	vld [tilespmem:$0x50]  }
0x4e: {  	[tilespmem:$0x2920] =	vst v1;
	v1 =	vshrl.u32 v59, $0xE  }
0x4f: {  	v60 =	vld [tilespmem:$0x60];
	[tilespmem:$0x2830] =	vst v1;
	v1 =	vand.u32 $0x3FFF, v59  }
0x50: {  	[tilespmem:$0x2930] =	vst v1;
	v1 =	vshrl.u32 v2, $0xE  }
0x51: {  	[tilespmem:$0x2840] =	vst v1;
	v1 =	vand.u32 $0x3FFF, v2;
	v2 =	vld [tilespmem:$0x70]  }
0x52: {  	[tilespmem:$0x2940] =	vst v1;
	v1 =	vshrl.u32 v3, $0xE  }
0x53: {  	[tilespmem:$0x2850] =	vst v1;
	v1 =	vand.u32 $0x3FFF, v3  }
0x54: {  	[tilespmem:$0x2950] =	vst v1;
	v1 =	vshrl.u32 v60, $0xE  }
0x55: {  	[tilespmem:$0x2860] =	vst v1;
	v1 =	vand.u32 $0x3FFF, v60  }
0x56: {  	[tilespmem:$0x2960] =	vst v1;
	v1 =	vshrl.u32 v2, $0xE  }
0x57: {  	[tilespmem:$0x2870] =	vst v1;
	v1 =	vand.u32 $0x3FFF, v2  }
0x58: {  	[tilespmem:$0x2970] =	vst v1  }
0x59: {  	[tilespmem:s21], [sflag:$0x1] =	stream.indirect.gather [hbm4b:s1+s23], $0x80, s24, s23, $0xb8;
	[tilespmem:$0x1EA00] =	vst v63  }
0x5a: {  	v1 =	vld [tilespmem:$0x80];
	_ =	sdelay $0x1  }
0x5b: {  	v2 =	vld [tilespmem:$0x90];
	_ =	sdelay $0x1  }
0x5c: {  	v3 =	vld [tilespmem:$0xA0]  }
0x5d: {  	v61 =	vshrl.u32 v1, $0xE  }
0x5e: {  	v62 =	vld [tilespmem:$0xB0];
	v1 =	vand.u32 $0x3FFF, v1;
	[tilespmem:$0x2880] =	vst v61  }
0x5f: {  	[tilespmem:$0x2980] =	vst v1;
	v1 =	vshrl.u32 v2, $0xE  }
0x60: {  	[tilespmem:$0x2890] =	vst v1;
	v1 =	vand.u32 $0x3FFF, v2;
	v2 =	vld [tilespmem:$0xC0]  }
0x61: {  	[tilespmem:$0x2990] =	vst v1;
	v1 =	vshrl.u32 v3, $0xE  }
0x62: {  	[tilespmem:$0x28A0] =	vst v1;
	v1 =	vand.u32 $0x3FFF, v3;
	v3 =	vld [tilespmem:$0xD0]  }
0x63: {  	[tilespmem:$0x29A0] =	vst v1;
	v1 =	vshrl.u32 v62, $0xE  }
0x64: {  	v63 =	vld [tilespmem:$0xE0];
	[tilespmem:$0x28B0] =	vst v1;
	v1 =	vand.u32 $0x3FFF, v62  }
0x65: {  	[tilespmem:$0x29B0] =	vst v1;
	v1 =	vshrl.u32 v2, $0xE  }
0x66: {  	[tilespmem:$0x28C0] =	vst v1;
	v1 =	vand.u32 $0x3FFF, v2;
	v2 =	vld [tilespmem:$0xF0]  }
0x67: {  	[tilespmem:$0x29C0] =	vst v1;
	v1 =	vshrl.u32 v3, $0xE  }
0x68: {  	[tilespmem:$0x28D0] =	vst v1;
	v1 =	vand.u32 $0x3FFF, v3  }
0x69: {  	[tilespmem:$0x29D0] =	vst v1;
	v1 =	vshrl.u32 v63, $0xE  }
0x6a: {  	[tilespmem:$0x28E0] =	vst v1;
	v1 =	vand.u32 $0x3FFF, v63  }
0x6b: {  	[tilespmem:$0x29E0] =	vst v1;
	v1 =	vshrl.u32 v2, $0xE  }
0x6c: {  	[tilespmem:$0x28F0] =	vst v1;
	v1 =	vand.u32 $0x3FFF, v2  }
0x6d: {  	[tilespmem:$0x29F0] =	vst v1  }
0x6e: {  	[tilespmem:s26], [sflag:$0x2] =	stream.indirect.gather [hbm4b:s1+s23], $0x80, s25, s23, $0xb8;
	[tilespmem:$0x1EA00] =	vst v63  }
0x6f: {  	_ =	swait.ge [sflag:s28], $0x4000  }
0x70: {  	[sflag:s28] =	ssyncset.done $0x0  }
0x71: {  	[sflag:s28] =	ssyncadd.s32 $0xFFFFC000  }
0x72: {  	[spmem:s2] =	stream.indirect.scatter.add.f32 [tilespmem:s21], [sflag:$0x3], $0x80, s29, s23, $0xb8;
	[tilespmem:$0x1EA00] =	vst v63  }
0x73: {  	_ =	swait.ge [sflag:s22], $0x4000  }
0x74: {  	s7 =	smin.u32 s3, $0x4D;
	[sflag:s22] =	ssyncset.done $0x0  }
0x75: {  	s6 =	sshll.u32 s7, $0x7;
	[sflag:s22] =	ssyncadd.s32 $0xFFFFC000  }
0x76: {  	v1 =	vld [tilespmem:s6+$0x100];
	_ =	sdelay $0x4  }
0x77: {  	v2 =	vshrl.u32 v1, $0xE  }
0x78: {  	v1 =	vand.u32 $0x3FFF, v1;
	[tilespmem:$0x2800] =	vst v2  }
0x79: {  	[tilespmem:$0x2900] =	vst v1  }
0x7a: {  	v1 =	vld [tilespmem:s6+$0x110];
	_ =	sdelay $0x4  }
0x7b: {  	v2 =	vshrl.u32 v1, $0xE  }
0x7c: {  	v1 =	vand.u32 $0x3FFF, v1;
	[tilespmem:$0x2810] =	vst v2  }
0x7d: {  	[tilespmem:$0x2910] =	vst v1  }
0x7e: {  	v1 =	vld [tilespmem:s6+$0x120];
	_ =	sdelay $0x4  }
0x7f: {  	v2 =	vshrl.u32 v1, $0xE  }
0x80: {  	v1 =	vand.u32 $0x3FFF, v1;
	[tilespmem:$0x2820] =	vst v2  }
0x81: {  	[tilespmem:$0x2920] =	vst v1  }
0x82: {  	v1 =	vld [tilespmem:s6+$0x130];
	_ =	sdelay $0x4  }
0x83: {  	v2 =	vshrl.u32 v1, $0xE  }
0x84: {  	v1 =	vand.u32 $0x3FFF, v1;
	[tilespmem:$0x2830] =	vst v2  }
0x85: {  	[tilespmem:$0x2930] =	vst v1  }
0x86: {  	v1 =	vld [tilespmem:s6+$0x140];
	_ =	sdelay $0x4  }
0x87: {  	v2 =	vshrl.u32 v1, $0xE  }
0x88: {  	v1 =	vand.u32 $0x3FFF, v1;
	[tilespmem:$0x2840] =	vst v2  }
0x89: {  	[tilespmem:$0x2940] =	vst v1  }
0x8a: {  	v1 =	vld [tilespmem:s6+$0x150];
	_ =	sdelay $0x4  }
0x8b: {  	v2 =	vshrl.u32 v1, $0xE  }
0x8c: {  	v1 =	vand.u32 $0x3FFF, v1;
	[tilespmem:$0x2850] =	vst v2  }
0x8d: {  	[tilespmem:$0x2950] =	vst v1  }
0x8e: {  	v1 =	vld [tilespmem:s6+$0x160];
	_ =	sdelay $0x4  }
0x8f: {  	v2 =	vshrl.u32 v1, $0xE  }
0x90: {  	v1 =	vand.u32 $0x3FFF, v1;
	[tilespmem:$0x2860] =	vst v2  }
0x91: {  	[tilespmem:$0x2960] =	vst v1  }
0x92: {  	v1 =	vld [tilespmem:s6+$0x170];
	_ =	sdelay $0x4  }
0x93: {  	v2 =	vshrl.u32 v1, $0xE  }
0x94: {  	v1 =	vand.u32 $0x3FFF, v1;
	[tilespmem:$0x2870] =	vst v2  }
0x95: {  	[tilespmem:$0x2970] =	vst v1  }
0x96: {  	[tilespmem:s21], [sflag:$0x1] =	stream.indirect.gather [hbm4b:s1+s23], $0x80, s24, s23, $0xb8;
	[tilespmem:$0x1EA00] =	vst v63  }
0x97: {  	_ =	swait.ge [sflag:s30], $0x4000  }
0x98: {  	[sflag:s30] =	ssyncset.done $0x0  }
0x99: {  	[sflag:s30] =	ssyncadd.s32 $0xFFFFC000  }
0x9a: {  	[spmem:s2] =	stream.indirect.scatter.add.f32 [tilespmem:s26], [sflag:$0x3], $0x80, s31, s23, $0xb8;
	[tilespmem:$0x1EA00] =	vst v63  }
0x9b: {  	_ =	swait.ge [sflag:s22], $0x4000  }
0x9c: {  	s3 =	smin.u32 s3, $0x4C;
	[sflag:s22] =	ssyncset.done $0x0  }
0x9d: {  	s6 =	sshll.u32 s3, $0x7;
	[sflag:s22] =	ssyncadd.s32 $0xFFFFC000  }
0x9e: {  	v1 =	vld [tilespmem:s6+$0x180];
	_ =	sdelay $0x4  }
0x9f: {  	v2 =	vshrl.u32 v1, $0xE  }
0xa0: {  	v1 =	vand.u32 $0x3FFF, v1;
	[tilespmem:$0x2880] =	vst v2  }
0xa1: {  	[tilespmem:$0x2980] =	vst v1  }
0xa2: {  	v1 =	vld [tilespmem:s6+$0x190];
	_ =	sdelay $0x4  }
0xa3: {  	v2 =	vshrl.u32 v1, $0xE  }
0xa4: {  	v1 =	vand.u32 $0x3FFF, v1;
	[tilespmem:$0x2890] =	vst v2  }
0xa5: {  	[tilespmem:$0x2990] =	vst v1  }
0xa6: {  	v1 =	vld [tilespmem:s6+$0x1A0];
	_ =	sdelay $0x4  }
0xa7: {  	v2 =	vshrl.u32 v1, $0xE  }
0xa8: {  	v1 =	vand.u32 $0x3FFF, v1;
	[tilespmem:$0x28A0] =	vst v2  }
0xa9: {  	[tilespmem:$0x29A0] =	vst v1  }
0xaa: {  	v1 =	vld [tilespmem:s6+$0x1B0];
	_ =	sdelay $0x4  }
0xab: {  	v2 =	vshrl.u32 v1, $0xE  }
0xac: {  	v1 =	vand.u32 $0x3FFF, v1;
	[tilespmem:$0x28B0] =	vst v2  }
0xad: {  	[tilespmem:$0x29B0] =	vst v1  }
0xae: {  	v1 =	vld [tilespmem:s6+$0x1C0];
	_ =	sdelay $0x4  }
0xaf: {  	v2 =	vshrl.u32 v1, $0xE  }
0xb0: {  	v1 =	vand.u32 $0x3FFF, v1;
	[tilespmem:$0x28C0] =	vst v2  }
0xb1: {  	[tilespmem:$0x29C0] =	vst v1  }
0xb2: {  	v1 =	vld [tilespmem:s6+$0x1D0];
	_ =	sdelay $0x4  }
0xb3: {  	v2 =	vshrl.u32 v1, $0xE  }
0xb4: {  	v1 =	vand.u32 $0x3FFF, v1;
	[tilespmem:$0x28D0] =	vst v2  }
0xb5: {  	s3 =	simm.s32 $0x2;
	[tilespmem:$0x29D0] =	vst v1  }
.LBB2_4:
0xb6: {  	p0 =	sne.s32 s3, $0x4E;
	v1 =	vld [tilespmem:s6+$0x1E0];
	s7 =	smov.u32 s3;
	s3 =	sadd.s32 $0x2, s3  }
0xb7: {  	_ =	sdelay $0x3  }
0xb8: {  	v2 =	vshrl.u32 v1, $0xE;
	v1 =	vand.u32 $0x3FFF, v1  }
0xb9: {  	[tilespmem:$0x28E0] =	vst v2  }
0xba: {  	[tilespmem:$0x29E0] =	vst v1  }
0xbb: {  	v1 =	vld [tilespmem:s6+$0x1F0];
	_ =	sdelay $0x4  }
0xbc: {  	v2 =	vshrl.u32 v1, $0xE;
	v1 =	vand.u32 $0x3FFF, v1  }
0xbd: {  	[tilespmem:$0x28F0] =	vst v2  }
0xbe: {  	[tilespmem:$0x29F0] =	vst v1  }
0xbf: {  	[tilespmem:s26], [sflag:$0x2] =	stream.indirect.gather [hbm4b:s1+s23], $0x80, s25, s23, $0xb8;
	[tilespmem:$0x1EA00] =	vst v63  }
0xc0: {  	_ =	swait.ge [sflag:s28], $0x4000  }
0xc1: {  	[sflag:s28] =	ssyncset.done $0x0  }
0xc2: {  	[sflag:s28] =	ssyncadd.s32 $0xFFFFC000  }
0xc3: {  	[spmem:s2] =	stream.indirect.scatter.add.f32 [tilespmem:s21], [sflag:$0x3], $0x80, s29, s23, $0xb8;
	[tilespmem:$0x1EA00] =	vst v63  }
0xc4: {  	_ =	swait.ge [sflag:s22], $0x4000  }
0xc5: {  	s6 =	smin.u32 s7, $0x4D;
	[sflag:s22] =	ssyncset.done $0x0  }
0xc6: {  	s6 =	sshll.u32 s6, $0x7;
	[sflag:s22] =	ssyncadd.s32 $0xFFFFC000  }
0xc7: {  	v1 =	vld [tilespmem:s6+$0x100];
	_ =	sdelay $0x4  }
0xc8: {  	v2 =	vshrl.u32 v1, $0xE;
	v1 =	vand.u32 $0x3FFF, v1  }
0xc9: {  	[tilespmem:$0x2800] =	vst v2  }
0xca: {  	[tilespmem:$0x2900] =	vst v1  }
0xcb: {  	v1 =	vld [tilespmem:s6+$0x110];
	_ =	sdelay $0x4  }
0xcc: {  	v2 =	vshrl.u32 v1, $0xE;
	v1 =	vand.u32 $0x3FFF, v1  }
0xcd: {  	[tilespmem:$0x2810] =	vst v2  }
0xce: {  	[tilespmem:$0x2910] =	vst v1  }
0xcf: {  	v1 =	vld [tilespmem:s6+$0x120];
	_ =	sdelay $0x4  }
0xd0: {  	v2 =	vshrl.u32 v1, $0xE;
	v1 =	vand.u32 $0x3FFF, v1  }
0xd1: {  	[tilespmem:$0x2820] =	vst v2  }
0xd2: {  	[tilespmem:$0x2920] =	vst v1  }
0xd3: {  	v1 =	vld [tilespmem:s6+$0x130];
	_ =	sdelay $0x4  }
0xd4: {  	v2 =	vshrl.u32 v1, $0xE;
	v1 =	vand.u32 $0x3FFF, v1  }
0xd5: {  	[tilespmem:$0x2830] =	vst v2  }
0xd6: {  	[tilespmem:$0x2930] =	vst v1  }
0xd7: {  	v1 =	vld [tilespmem:s6+$0x140];
	_ =	sdelay $0x4  }
0xd8: {  	v2 =	vshrl.u32 v1, $0xE;
	v1 =	vand.u32 $0x3FFF, v1  }
0xd9: {  	[tilespmem:$0x2840] =	vst v2  }
0xda: {  	[tilespmem:$0x2940] =	vst v1  }
0xdb: {  	v1 =	vld [tilespmem:s6+$0x150];
	_ =	sdelay $0x4  }
0xdc: {  	v2 =	vshrl.u32 v1, $0xE;
	v1 =	vand.u32 $0x3FFF, v1  }
0xdd: {  	[tilespmem:$0x2850] =	vst v2  }
0xde: {  	[tilespmem:$0x2950] =	vst v1  }
0xdf: {  	v1 =	vld [tilespmem:s6+$0x160];
	_ =	sdelay $0x4  }
0xe0: {  	v2 =	vshrl.u32 v1, $0xE;
	v1 =	vand.u32 $0x3FFF, v1  }
0xe1: {  	[tilespmem:$0x2860] =	vst v2  }
0xe2: {  	[tilespmem:$0x2960] =	vst v1  }
0xe3: {  	v1 =	vld [tilespmem:s6+$0x170];
	_ =	sdelay $0x4  }
0xe4: {  	v2 =	vshrl.u32 v1, $0xE;
	v1 =	vand.u32 $0x3FFF, v1  }
0xe5: {  	s6 =	smin.u32 s7, $0x4C;
	[tilespmem:$0x2870] =	vst v2  }
0xe6: {  	s6 =	sshll.u32 s6, $0x7;
	[tilespmem:$0x2970] =	vst v1  }
0xe7: {  	[tilespmem:s21], [sflag:$0x1] =	stream.indirect.gather [hbm4b:s1+s23], $0x80, s24, s23, $0xb8;
	[tilespmem:$0x1EA00] =	vst v63  }
0xe8: {  	_ =	swait.ge [sflag:s30], $0x4000  }
0xe9: {  	[sflag:s30] =	ssyncset.done $0x0  }
0xea: {  	[sflag:s30] =	ssyncadd.s32 $0xFFFFC000  }
0xeb: {  	[spmem:s2] =	stream.indirect.scatter.add.f32 [tilespmem:s26], [sflag:$0x3], $0x80, s31, s23, $0xb8;
	[tilespmem:$0x1EA00] =	vst v63  }
0xec: {  	_ =	swait.ge [sflag:s22], $0x4000  }
0xed: {  	[sflag:s22] =	ssyncset.done $0x0  }
0xee: {  	[sflag:s22] =	ssyncadd.s32 $0xFFFFC000  }
0xef: {  	v1 =	vld [tilespmem:s6+$0x180];
	_ =	sdelay $0x4  }
0xf0: {  	v2 =	vshrl.u32 v1, $0xE;
	v1 =	vand.u32 $0x3FFF, v1  }
0xf1: {  	[tilespmem:$0x2880] =	vst v2  }
0xf2: {  	[tilespmem:$0x2980] =	vst v1  }
0xf3: {  	v1 =	vld [tilespmem:s6+$0x190];
	_ =	sdelay $0x4  }
0xf4: {  	v2 =	vshrl.u32 v1, $0xE;
	v1 =	vand.u32 $0x3FFF, v1  }
0xf5: {  	[tilespmem:$0x2890] =	vst v2  }
0xf6: {  	[tilespmem:$0x2990] =	vst v1  }
0xf7: {  	v1 =	vld [tilespmem:s6+$0x1A0];
	_ =	sdelay $0x4  }
0xf8: {  	v2 =	vshrl.u32 v1, $0xE;
	v1 =	vand.u32 $0x3FFF, v1  }
0xf9: {  	[tilespmem:$0x28A0] =	vst v2  }
0xfa: {  	[tilespmem:$0x29A0] =	vst v1  }
0xfb: {  	v1 =	vld [tilespmem:s6+$0x1B0];
	_ =	sdelay $0x4  }
0xfc: {  	v2 =	vshrl.u32 v1, $0xE;
	v1 =	vand.u32 $0x3FFF, v1  }
0xfd: {  	[tilespmem:$0x28B0] =	vst v2  }
0xfe: {  	[tilespmem:$0x29B0] =	vst v1  }
0xff: {  	v1 =	vld [tilespmem:s6+$0x1C0];
	_ =	sdelay $0x4  }
0x100: {  	v2 =	vshrl.u32 v1, $0xE;
	v1 =	vand.u32 $0x3FFF, v1  }
0x101: {  	[tilespmem:$0x28C0] =	vst v2  }
0x102: {  	[tilespmem:$0x29C0] =	vst v1  }
0x103: {  	v1 =	vld [tilespmem:s6+$0x1D0];
	_ =	sdelay $0x2  }
.Ltmp1:
0x104: {  	(pc) =	sbr.rel @p0 .LBB2_4-.Ltmp1, $4  }
0x105: {  	_ = 	snop  }
0x106: {  	v2 =	vshrl.u32 v1, $0xE;
	v1 =	vand.u32 $0x3FFF, v1  }
0x107: {  	[tilespmem:$0x28D0] =	vst v2  }
0x108: {  	[tilespmem:$0x29D0] =	vst v1  }
0x109: {  	v1 =	vld [tilespmem:s6+$0x1E0];
	_ =	sdelay $0x4  }
0x10a: {  	v2 =	vshrl.u32 v1, $0xE  }
0x10b: {  	v1 =	vand.u32 $0x3FFF, v1;
	[tilespmem:$0x28E0] =	vst v2  }
0x10c: {  	[tilespmem:$0x29E0] =	vst v1  }
0x10d: {  	v1 =	vld [tilespmem:s6+$0x1F0];
	_ =	sdelay $0x4  }
0x10e: {  	v2 =	vshrl.u32 v1, $0xE  }
0x10f: {  	v1 =	vand.u32 $0x3FFF, v1;
	[tilespmem:$0x28F0] =	vst v2  }
0x110: {  	[tilespmem:$0x29F0] =	vst v1  }
0x111: {  	[tilespmem:s26], [sflag:$0x2] =	stream.indirect.gather [hbm4b:s1+s23], $0x80, s25, s23, $0xb8;
	[tilespmem:$0x1EA00] =	vst v63  }
0x112: {  	_ =	swait.ge [sflag:s28], $0x4000  }
0x113: {  	[sflag:s28] =	ssyncset.done $0x0  }
0x114: {  	[sflag:s28] =	ssyncadd.s32 $0xFFFFC000  }
0x115: {  	_ =	swait.ge [sflag:s30], $0x4000  }
0x116: {  	[sflag:s30] =	ssyncset.done $0x0  }
0x117: {  	[sflag:s30] =	ssyncadd.s32 $0xFFFFC000  }
0x118: {  	[bflag:$0x0] =	sbarrier.arrive $0xFFFF  }
0x119: {  	[tilespmem:s21], [sflag:$0x3] =	stream.linear.gather [spmem:s5], $0x4000, $0x38;
	[tilespmem:$0x1EA00] =	vst v63  }
0x11a: {  	_ =	swait.ge [sflag:s22], $0x4000  }
0x11b: {  	[sflag:s22] =	ssyncset.done $0x0  }
0x11c: {  	[sflag:s22] =	ssyncadd.s32 $0xFFFFC000  }
0x11d: {  	[hbm4b:s12+s4] =	stream.linear.scatter [tilespmem:s21], [sflag:$0x3], $0x4000, $0x38;
	[tilespmem:$0x1EA00] =	vst v63  }
0x11e: {  	_ =	swait.ge [sflag:s22], $0x4000  }
0x11f: {  	[sflag:s22] =	ssyncset.done $0x0  }
0x120: {  	[sflag:s22] =	ssyncadd.s32 $0xFFFFC000  }
0x121: {  	[tilespmem:s21], [sflag:$0x3] =	stream.linear.gather [spmem:s13], $0x4000, $0x38;
	[tilespmem:$0x1EA00] =	vst v63  }
0x122: {  	_ =	swait.ge [sflag:s22], $0x4000  }
0x123: {  	[sflag:s22] =	ssyncset.done $0x0  }
0x124: {  	[sflag:s22] =	ssyncadd.s32 $0xFFFFC000  }
0x125: {  	[hbm4b:s14+s4] =	stream.linear.scatter [tilespmem:s21], [sflag:$0x3], $0x4000, $0x38;
	[tilespmem:$0x1EA00] =	vst v63  }
0x126: {  	_ =	swait.ge [sflag:s22], $0x4000  }
0x127: {  	[sflag:s22] =	ssyncset.done $0x0  }
0x128: {  	[sflag:s22] =	ssyncadd.s32 $0xFFFFC000  }
0x129: {  	[tilespmem:s21], [sflag:$0x3] =	stream.linear.gather [spmem:s15], $0x4000, $0x38;
	[tilespmem:$0x1EA00] =	vst v63  }
0x12a: {  	_ =	swait.ge [sflag:s22], $0x4000  }
0x12b: {  	[sflag:s22] =	ssyncset.done $0x0  }
0x12c: {  	[sflag:s22] =	ssyncadd.s32 $0xFFFFC000  }
0x12d: {  	[hbm4b:s16+s4] =	stream.linear.scatter [tilespmem:s21], [sflag:$0x3], $0x4000, $0x38;
	[tilespmem:$0x1EA00] =	vst v63  }
0x12e: {  	_ =	swait.ge [sflag:s22], $0x4000  }
0x12f: {  	[sflag:s22] =	ssyncset.done $0x0  }
0x130: {  	[sflag:s22] =	ssyncadd.s32 $0xFFFFC000  }
0x131: {  	[tilespmem:s21], [sflag:$0x3] =	stream.linear.gather [spmem:s17], $0x4000, $0x38;
	[tilespmem:$0x1EA00] =	vst v63  }
0x132: {  	_ =	swait.ge [sflag:s22], $0x4000  }
0x133: {  	[sflag:s22] =	ssyncset.done $0x0  }
0x134: {  	[sflag:s22] =	ssyncadd.s32 $0xFFFFC000  }
0x135: {  	[hbm4b:s18+s4] =	stream.linear.scatter [tilespmem:s21], [sflag:$0x3], $0x4000, $0x38;
	[tilespmem:$0x1EA00] =	vst v63  }
0x136: {  	_ =	swait.ge [sflag:s22], $0x4000  }
0x137: {  	[sflag:s22] =	ssyncset.done $0x0  }
0x138: {  	[sflag:s22] =	ssyncadd.s32 $0xFFFFC000  }
0x139: {  	[tilespmem:s21], [sflag:$0x3] =	stream.linear.gather [spmem:s19], $0x4000, $0x38;
	[tilespmem:$0x1EA00] =	vst v63  }
0x13a: {  	_ =	swait.ge [sflag:s22], $0x4000  }
0x13b: {  	[sflag:s22] =	ssyncset.done $0x0  }
0x13c: {  	[sflag:s22] =	ssyncadd.s32 $0xFFFFC000  }
0x13d: {  	[hbm4b:s20+s4] =	stream.linear.scatter [tilespmem:s21], [sflag:$0x3], $0x4000, $0x38;
	[tilespmem:$0x1EA00] =	vst v63  }
0x13e: {  	_ =	swait.ge [sflag:s22], $0x4000  }
0x13f: {  	s0 =	sadd.s32 $0x1, s0;
	s3 =	rddreg [dreg:$0x6]  }
0x140: {  	p0 =	sne.s32 s0, s3  }
.Ltmp2:
0x141: {  	_ = 	snop;
	(pc) =	sbr.rel @p0 .LBB2_1-.Ltmp2, $3  }
0x142: {  	_ =	sdelay $0x1  }
0x143: {  	[sflag:s22] =	ssyncset.done $0x0  }
0x144: {  	[sflag:s22] =	ssyncadd.s32 $0xFFFFC000  }
0x145: {  	_ =	sfence.sel $0x180000  }
0x146: {  	[bflag:$0x0] =	sbarrier.arrive $0xFFFF  }
0x147: {  	_ =	strace $0x90000047  }
0x148: {  	s0 =	stileid.u32;
	[bflag:$0x2] =	sbarrier.arrive $0xFFFF  }
0x149: {  	p0 =	sne.s32 s0, $0x0;
	s0 =	rddreg [dreg:$0x4]  }
0x14a: {  	s0 =	sadd.s32 @!p0 $0x100000, s0  }
0x14b: {  	[sflag:s0] =	ssyncadd.tile.s32 @!p0 $0x1;
	_ =	shalt  }
.Lfunc_end2:
_tile_overlayer_lowered:
.L_overlay_start_2:
0x14c: {  	(tag) =	ssettag $0x2  }
0x14d: {  	s0 =	rddreg [dreg:$0x0];
	s2 =	stileid.u32  }
0x14e: {  	s1 =	rddreg [dreg:$0x1];
	p0 =	sne.s32 s2, $0x0  }
0x14f: {  	s3 =	rddreg [dreg:$0x2];
	[bflag:$0x3] =	sbarrier.arrive $0xFFFF;
	s2 =	simm.s32 @!p0 $0x1C03  }
0x150: {  	[timem:s3], [sflag:s2] =	dma.local @!p0 [hbm:s0], s1  }
0x151: {  	s0 =	simm.s32 @!p0 $0x3  }
0x152: {  	_ =	swait.ge @!p0 [sflag:s0], s1  }
0x153: {  	s1 =	ssub.s32 @!p0 $0x0, s1;
	[sflag:s0] =	ssyncset.done @!p0 $0x0  }
0x154: {  	[sflag:s0] =	ssyncadd.s32 @!p0 s1  }
0x155: {  	[bflag:$0x3] =	sbarrier.arrive $0xFFFF  }
0x156: {  	_ =	shalt  }

</sc_bundles>
